<compile_context>
chip_gen: v7x
topology: tpu7x:2x2x1
jax: 0.10.2.dev20260603
libtpu: 0.0.44.dev20260713+nightly
codegen_flags: <defaults>
</compile_context>

<pallas_src>
import functools

import jax
import jax.numpy as jnp
from jax import lax
from jax.experimental import pallas as pl
from jax.experimental.pallas import tpu as pltpu
from jax.experimental.pallas import tpu_sc as plsc

NC = 2
NS = 16
NW = NC * NS
LANES = 16

N = 10000
D = 128
E = 320000
EPW = E // NW
CHUNK = 80
NFULL = EPW // CHUNK
RPT = N // NS

BLK = 2000
DEGR = N * LANES // 128


def _vsm():
    return plsc.VectorSubcoreMesh(core_axis_name="c", subcore_axis_name="s")


def _sc_degree(ei3):
    @functools.partial(
        pl.kernel,
        out_type=jax.ShapeDtypeStruct((NC, N, LANES), jnp.float32),
        mesh=_vsm(),
        compiler_params=pltpu.CompilerParams(use_tc_tiling_on_sc=False),
        scratch_types=[
            pltpu.VMEM((EPW,), jnp.int32),
            pltpu.VMEM((CHUNK, LANES), jnp.float32),
            pltpu.VMEM((RPT, LANES), jnp.float32),
            pltpu.VMEM_SHARED((N, LANES), jnp.float32),
            pltpu.SemaphoreType.DMA,
            pltpu.SemaphoreType.DMA,
        ],
    )
    def deg_kernel(ei_hbm, out_hbm, idx_v, ones_v, zbuf, acc, dsem, isem):
        cid = lax.axis_index("c")
        sid = lax.axis_index("s")
        wid = cid * NS + sid

        pltpu.async_copy(ei_hbm.at[pl.ds(E + wid * EPW, EPW)], idx_v, isem)

        def zfill_row(r, _):
            zbuf[r, :] = jnp.zeros((LANES,), jnp.float32)
            return 0

        lax.fori_loop(0, RPT, zfill_row, 0)

        pltpu.async_copy(zbuf, acc.at[pl.ds(sid * RPT, RPT)], dsem)

        def fill_row(r, _):
            ones_v[r, :] = jnp.ones((LANES,), jnp.float32)
            return 0

        lax.fori_loop(0, CHUNK, fill_row, 0)

        pltpu.make_async_copy(
            zbuf, acc.at[pl.ds(sid * RPT, RPT)], dsem).wait()
        pltpu.make_async_copy(
            ei_hbm.at[pl.ds(E + wid * EPW, EPW)], idx_v, isem).wait()
        plsc.subcore_barrier()

        def body(c, _):
            dst = acc.at[idx_v.at[pl.ds(c * CHUNK, CHUNK)]]
            pltpu.async_copy(ones_v, dst, dsem, add=True)

            @pl.when(c > 0)
            def _():
                prev = acc.at[idx_v.at[pl.ds((c - 1) * CHUNK, CHUNK)]]
                pltpu.make_async_copy(ones_v, prev, dsem).wait()
            return 0

        lax.fori_loop(0, NFULL, body, 0)
        last = acc.at[idx_v.at[pl.ds((NFULL - 1) * CHUNK, CHUNK)]]
        pltpu.make_async_copy(ones_v, last, dsem).wait()
        plsc.subcore_barrier()

        pltpu.sync_copy(
            acc.at[pl.ds(sid * RPT, RPT)],
            out_hbm.at[cid, pl.ds(sid * RPT, RPT)],
        )

    return deg_kernel(ei3)


def _sc_aggregate(hs, ei3):
    @functools.partial(
        pl.kernel,
        out_type=jax.ShapeDtypeStruct((NC, N, D), jnp.float32),
        mesh=_vsm(),
        compiler_params=pltpu.CompilerParams(use_tc_tiling_on_sc=False),
        scratch_types=[
            pltpu.VMEM((EPW,), jnp.int32),
            pltpu.VMEM((EPW,), jnp.int32),
            pltpu.VMEM((CHUNK, D), jnp.float32),
            pltpu.VMEM((CHUNK, D), jnp.float32),
            pltpu.VMEM((CHUNK, D), jnp.float32),
            pltpu.VMEM_SHARED((N, D), jnp.float32),
            pltpu.SemaphoreType.DMA,
            pltpu.SemaphoreType.DMA,
            pltpu.SemaphoreType.DMA,
            pltpu.SemaphoreType.DMA,
            pltpu.SemaphoreType.DMA,
            pltpu.SemaphoreType.DMA,
        ],
    )
    def agg_kernel(hs_hbm, ei_hbm, out_hbm,
                   src_v, dst_v, b0, b1, b2, acc,
                   g0, g1, g2, s0, s1, s2):
        cid = lax.axis_index("c")
        sid = lax.axis_index("s")
        wid = cid * NS + sid
        bufs = (b0, b1, b2)
        gsem = (g0, g1, g2)
        ssem = (s0, s1, s2)

        def zfill_row(r, _):
            for c8 in range(D // LANES):
                b0[r, pl.ds(c8 * LANES, LANES)] = jnp.zeros(
                    (LANES,), jnp.float32)
            return 0

        lax.fori_loop(0, CHUNK, zfill_row, 0)

        for z in range(RPT // CHUNK):
            pltpu.async_copy(
                b0, acc.at[pl.ds(sid * RPT + z * CHUNK, CHUNK)], s0)
        zrem = RPT % CHUNK
        if zrem:
            pltpu.async_copy(
                b0.at[pl.ds(0, zrem)],
                acc.at[pl.ds(sid * RPT + (RPT // CHUNK) * CHUNK, zrem)], s1)
        pltpu.async_copy(ei_hbm.at[pl.ds(wid * EPW, EPW)], src_v, g0)
        pltpu.async_copy(ei_hbm.at[pl.ds(E + wid * EPW, EPW)], dst_v, g1)
        for z in range(RPT // CHUNK):
            pltpu.make_async_copy(
                b0, acc.at[pl.ds(sid * RPT + z * CHUNK, CHUNK)], s0).wait()
        if zrem:
            pltpu.make_async_copy(
                b0.at[pl.ds(0, zrem)],
                acc.at[pl.ds(sid * RPT + (RPT // CHUNK) * CHUNK, zrem)],
                s1).wait()
        pltpu.make_async_copy(
            ei_hbm.at[pl.ds(wid * EPW, EPW)], src_v, g0).wait()
        pltpu.make_async_copy(
            ei_hbm.at[pl.ds(E + wid * EPW, EPW)], dst_v, g1).wait()
        plsc.subcore_barrier()

        def src_at(c):
            return src_v.at[pl.ds(c * CHUNK, CHUNK)]

        def dst_at(c):
            return dst_v.at[pl.ds(c * CHUNK, CHUNK)]

        def step(c, j):
            jn = (j + 1) % 3

            @pl.when(c + 1 < NFULL)
            def _():
                @pl.when(c + 1 >= 3)
                def _():
                    pltpu.make_async_copy(
                        bufs[jn], acc.at[dst_at(c - 2)], ssem[jn]).wait()
                pltpu.async_copy(hs_hbm.at[src_at(c + 1)], bufs[jn], gsem[jn])

            pltpu.make_async_copy(hs_hbm.at[src_at(c)], bufs[j],
                                  gsem[j]).wait()
            pltpu.async_copy(bufs[j], acc.at[dst_at(c)], ssem[j], add=True)

        pltpu.async_copy(hs_hbm.at[src_at(0)], b0, g0)

        def body(g, _):
            step(3 * g, 0)
            step(3 * g + 1, 1)
            step(3 * g + 2, 2)
            return 0

        NG = NFULL // 3
        lax.fori_loop(0, NG, body, 0)
        for c in range(3 * NG, NFULL):
            step(c, c % 3)
        for c in range(NFULL - 3, NFULL):
            j = c % 3
            pltpu.make_async_copy(bufs[j], acc.at[dst_at(c)], ssem[j]).wait()
        plsc.subcore_barrier()

        pltpu.sync_copy(
            acc.at[pl.ds(sid * RPT, RPT)],
            out_hbm.at[cid, pl.ds(sid * RPT, RPT)],
        )

    return agg_kernel(hs, ei3)


def _dinv_block(degp_ref):
    deg = degp_ref[0, :, 0] + degp_ref[1, :, 0] + 1.0
    return lax.rsqrt(deg)[:, None]


_DEG_SPEC = pl.BlockSpec((NC, BLK, LANES), lambda i: (0, i, 0))


def _tc_matmul_plain(x, W):
    def body(x_ref, w_ref, o_ref):
        o_ref[...] = jnp.dot(
            x_ref[...], w_ref[...], preferred_element_type=jnp.float32)

    return pl.pallas_call(
        body,
        grid=(N // BLK,),
        in_specs=[
            pl.BlockSpec((BLK, D), lambda i: (i, 0)),
            pl.BlockSpec((D, D), lambda i: (0, 0)),
        ],
        out_specs=pl.BlockSpec((BLK, D), lambda i: (i, 0)),
        out_shape=jax.ShapeDtypeStruct((N, D), jnp.float32),
    )(x, W)


def _tc_scale(degp, u):
    def body(degp_ref, u_ref, o_ref):
        o_ref[...] = _dinv_block(degp_ref) * u_ref[...]

    return pl.pallas_call(
        body,
        grid=(N // BLK,),
        in_specs=[
            _DEG_SPEC,
            pl.BlockSpec((BLK, D), lambda i: (i, 0)),
        ],
        out_specs=pl.BlockSpec((BLK, D), lambda i: (i, 0)),
        out_shape=jax.ShapeDtypeStruct((N, D), jnp.float32),
    )(degp, u)


def _tc_mid(degp, p, hs1, b1, W2):
    def body(degp_ref, p_ref, hs_ref, b_ref, w_ref, o_ref):
        dinv = _dinv_block(degp_ref)
        z = dinv * (p_ref[0] + p_ref[1] + hs_ref[...]) + b_ref[...]
        a = jnp.maximum(z, 0.0)
        o_ref[...] = dinv * jnp.dot(
            a, w_ref[...], preferred_element_type=jnp.float32)

    return pl.pallas_call(
        body,
        grid=(N // BLK,),
        in_specs=[
            _DEG_SPEC,
            pl.BlockSpec((NC, BLK, D), lambda i: (0, i, 0)),
            pl.BlockSpec((BLK, D), lambda i: (i, 0)),
            pl.BlockSpec((1, D), lambda i: (0, 0)),
            pl.BlockSpec((D, D), lambda i: (0, 0)),
        ],
        out_specs=pl.BlockSpec((BLK, D), lambda i: (i, 0)),
        out_shape=jax.ShapeDtypeStruct((N, D), jnp.float32),
    )(degp, p, hs1, b1, W2)


def _tc_final(degp, q, hs2, b2):
    def body(degp_ref, q_ref, hs_ref, b_ref, o_ref):
        dinv = _dinv_block(degp_ref)
        o_ref[...] = dinv * (q_ref[0] + q_ref[1] + hs_ref[...]) + b_ref[...]

    return pl.pallas_call(
        body,
        grid=(N // BLK,),
        in_specs=[
            _DEG_SPEC,
            pl.BlockSpec((NC, BLK, D), lambda i: (0, i, 0)),
            pl.BlockSpec((BLK, D), lambda i: (i, 0)),
            pl.BlockSpec((1, D), lambda i: (0, 0)),
        ],
        out_specs=pl.BlockSpec((BLK, D), lambda i: (i, 0)),
        out_shape=jax.ShapeDtypeStruct((N, D), jnp.float32),
    )(degp, q, hs2, b2)


def kernel(x, edge_index, W1, b1, W2, b2):
    ei3 = edge_index.astype(jnp.int32).reshape(2 * E)
    b1r = b1.reshape(1, D)
    b2r = b2.reshape(1, D)

    u1 = _tc_matmul_plain(x, W1)
    degp = _sc_degree(ei3)
    hs1 = _tc_scale(degp, u1)
    p = _sc_aggregate(hs1, ei3)
    hs2 = _tc_mid(degp, p, hs1, b1r, W2)
    q = _sc_aggregate(hs2, ei3)
    out = _tc_final(degp, q, hs2, b2r)
    return out

# --- scband reference (transcript-rebuilt; emitter-appended) ---
"""Pipeline reference for scband-gnnencoder-14388140441811 (READ-ONLY COPY).

The authoritative reference and input builder live on the scoring server;
editing this copy changes nothing except your own understanding.
"""

import jax, jax.numpy as jnp
import numpy as np

N_NODES = 10000
N_EDGES = 320000
D_IN = 128
D_HID = 128
D_OUT = 128


def setup_inputs(seed: int = 0) -> dict:
    key = jax.random.key(seed)
    k1, k2, k3, k4 = jax.random.split(key, 4)
    x = jax.random.normal(k1, (N_NODES, D_IN), dtype=jnp.float32)
    edge_index = jax.random.randint(k2, (2, N_EDGES), 0, N_NODES)
    W1 = jax.random.normal(k3, (D_IN, D_HID), dtype=jnp.float32) * (1.0 / np.sqrt(D_IN))
    b1 = jnp.zeros((D_HID,), dtype=jnp.float32)
    W2 = jax.random.normal(k4, (D_HID, D_OUT), dtype=jnp.float32) * (1.0 / np.sqrt(D_HID))
    b2 = jnp.zeros((D_OUT,), dtype=jnp.float32)
    return {"x": x, "edge_index": edge_index, "W1": W1, "b1": b1, "W2": W2, "b2": b2}


def _gcn_layer(x, edge_index, W, b):
    # Faithful GCNConv: add self-loops, symmetric deg^-1/2 normalization,
    # linear transform, gather on src, scatter-add on dst, add bias.
    N = x.shape[0]
    loop = jnp.arange(N, dtype=edge_index.dtype)
    src = jnp.concatenate([edge_index[0], loop])
    dst = jnp.concatenate([edge_index[1], loop])
    deg = jnp.zeros((N,), dtype=x.dtype).at[dst].add(1.0)
    dinv = jnp.where(deg > 0, 1.0 / jnp.sqrt(deg), 0.0)
    norm = dinv[src] * dinv[dst]
    h = x @ W
    msg = h[src] * norm[:, None]
    out = jnp.zeros((N, h.shape[1]), dtype=x.dtype).at[dst].add(msg)
    return out + b


def reference(x, edge_index, W1, b1, W2, b2):
    h = jax.nn.relu(_gcn_layer(x, edge_index, W1, b1))
    return _gcn_layer(h, edge_index, W2, b2)

if __name__ == "__main__":
    import jax
    _d = setup_inputs()
    print(jax.jit(kernel)(*tuple(_d.values())))

</pallas_src>

<mosaic_0001>
#map = affine_map<(d0, d1) -> (0)>
#map1 = affine_map<(d0, d1) -> (0, 0, 0)>
module attributes {stable_mosaic.version = 14 : i64} {
  func.func @deg_kernel(%arg0: i32, %arg1: i32, %arg2: memref<640000xi32, #tpu.memory_space<hbm>>, %arg3: memref<2x10000x16xf32, #tpu.memory_space<hbm>>, %arg4: memref<10000xi32, #tpu.memory_space<vmem>>, %arg5: memref<80x16xf32, #tpu.memory_space<vmem>>, %arg6: memref<625x16xf32, #tpu.memory_space<vmem>>, %arg7: memref<10000x16xf32, #tpu.memory_space<vmem_shared>>, %arg8: memref<!tpu.dma_semaphore, #tpu.memory_space<semaphore_mem>>, %arg9: memref<!tpu.dma_semaphore, #tpu.memory_space<semaphore_mem>>) attributes {dimension_semantics = [#tpu.dimension_semantics<core_parallel>, #tpu.dimension_semantics<subcore_parallel>], iteration_bounds = array<i64: 2, 16>, scalar_prefetch = 0 : i64, scratch_operands = 6 : i64, tpu.core_type = #tpu.core_type<sc_vector_subcore>, window_params = [{transform_indices = #map}, {transform_indices = #map1}]} {
    %mul3A = arith.constant 16 : i32
    %mul3A_0 = arith.muli %arg0, %mul3A : i32
    %add3A = arith.addi %mul3A_0, %arg1 : i32
    %mul3A_1 = arith.constant 10000 : i32
    %mul3A_2 = arith.muli %add3A, %mul3A_1 : i32
    %add3A_3 = arith.constant 320000 : i32
    %add3A_4 = arith.addi %add3A_3, %mul3A_2 : i32
    %dma_start3A = tpu.memref_slice %arg2[%add3A_4] : memref<640000xi32, #tpu.memory_space<hbm>> -> memref<10000xi32, #tpu.memory_space<hbm>>
    %dma_start3A_5 = tpu.memref_slice %arg2[%add3A_4] : memref<640000xi32, #tpu.memory_space<hbm>> -> memref<10000xi32, #tpu.memory_space<hbm>>
    tpu.enqueue_dma source(%dma_start3A_5 : memref<10000xi32, #tpu.memory_space<hbm>>) target(%arg4 : memref<10000xi32, #tpu.memory_space<vmem>>) target_semaphore(%arg9 : memref<!tpu.dma_semaphore, #tpu.memory_space<semaphore_mem>>)
    %scan3A = arith.constant 0 : i32
    %scan3A_6 = arith.constant 0 : i32
    %scan3A_7 = arith.constant 625 : i32
    %scan3A_8 = arith.addi %scan3A_6, %scan3A_7 : i32
    %scan3A_9 = arith.constant 1 : i32
    %scan3A_10 = scf.for %scan3A_53 = %scan3A_6 to %scan3A_8 step %scan3A_9 iter_args(%scan3A_54 = %scan3A) -> (i32)  : i32 {
      %broadcast_in_dim3A = arith.constant 0.000000e+00 : f32
      %broadcast_in_dim3A_55 = vector.broadcast %broadcast_in_dim3A : f32 to vector<16xf32>
      %swap3A = arith.index_cast %scan3A_53 : i32 to index
      %swap3A_56 = arith.constant 0 : index
      %swap3A_57 = tpu.vector_load %arg6[%swap3A, %swap3A_56] {strides = array<i32>} : memref<625x16xf32, #tpu.memory_space<vmem>>, vector<1x16xf32>,
      %swap3A_58 = vector.shape_cast %swap3A_57 : vector<1x16xf32> to vector<16xf32>
      %swap3A_59 = vector.shape_cast %broadcast_in_dim3A_55 : vector<16xf32> to vector<1x16xf32>
      tpu.vector_store %arg6[%swap3A, %swap3A_56], %swap3A_59 {strides = array<i32>} : memref<625x16xf32, #tpu.memory_space<vmem>>, vector<1x16xf32>,
      %scan3A_60 = arith.constant 0 : i32
      scf.yield %scan3A_60 : i32
    }
    %scan3A_11 = arith.constant 625 : i32
    %mul3A_12 = arith.constant 625 : i32
    %mul3A_13 = arith.muli %arg1, %mul3A_12 : i32
    %dma_start3A_14 = arith.constant 0 : i32
    %dma_start3A_15 = tpu.memref_slice %arg7[%mul3A_13, %dma_start3A_14] : memref<10000x16xf32, #tpu.memory_space<vmem_shared>> -> memref<625x16xf32, #tpu.memory_space<vmem_shared>>
    %dma_start3A_16 = arith.constant 0 : i32
    %dma_start3A_17 = tpu.memref_slice %arg7[%mul3A_13, %dma_start3A_16] : memref<10000x16xf32, #tpu.memory_space<vmem_shared>> -> memref<625x16xf32, #tpu.memory_space<vmem_shared>>
    tpu.enqueue_dma source(%arg6 : memref<625x16xf32, #tpu.memory_space<vmem>>) target(%dma_start3A_17 : memref<625x16xf32, #tpu.memory_space<vmem_shared>>) target_semaphore(%arg8 : memref<!tpu.dma_semaphore, #tpu.memory_space<semaphore_mem>>)
    %scan3A_18 = arith.constant 0 : i32
    %scan3A_19 = arith.constant 0 : i32
    %scan3A_20 = arith.constant 80 : i32
    %scan3A_21 = arith.addi %scan3A_19, %scan3A_20 : i32
    %scan3A_22 = arith.constant 1 : i32
    %scan3A_23 = scf.for %scan3A_53 = %scan3A_19 to %scan3A_21 step %scan3A_22 iter_args(%scan3A_54 = %scan3A_18) -> (i32)  : i32 {
      %broadcast_in_dim3A = arith.constant 1.000000e+00 : f32
      %broadcast_in_dim3A_55 = vector.broadcast %broadcast_in_dim3A : f32 to vector<16xf32>
      %swap3A = arith.index_cast %scan3A_53 : i32 to index
      %swap3A_56 = arith.constant 0 : index
      %swap3A_57 = tpu.vector_load %arg5[%swap3A, %swap3A_56] {strides = array<i32>} : memref<80x16xf32, #tpu.memory_space<vmem>>, vector<1x16xf32>,
      %swap3A_58 = vector.shape_cast %swap3A_57 : vector<1x16xf32> to vector<16xf32>
      %swap3A_59 = vector.shape_cast %broadcast_in_dim3A_55 : vector<16xf32> to vector<1x16xf32>
      tpu.vector_store %arg5[%swap3A, %swap3A_56], %swap3A_59 {strides = array<i32>} : memref<80x16xf32, #tpu.memory_space<vmem>>, vector<1x16xf32>,
      %scan3A_60 = arith.constant 0 : i32
      scf.yield %scan3A_60 : i32
    }
    %scan3A_24 = arith.constant 80 : i32
    %mul3A_25 = arith.constant 625 : i32
    %mul3A_26 = arith.muli %arg1, %mul3A_25 : i32
    %dma_wait3A = arith.constant 0 : i32
    %dma_wait3A_27 = tpu.memref_slice %arg7[%mul3A_26, %dma_wait3A] : memref<10000x16xf32, #tpu.memory_space<vmem_shared>> -> memref<625x16xf32, #tpu.memory_space<vmem_shared>>
    %dma_wait3A_28 = arith.constant 0 : i32
    %dma_wait3A_29 = tpu.memref_slice %arg7[%mul3A_26, %dma_wait3A_28] : memref<10000x16xf32, #tpu.memory_space<vmem_shared>> -> memref<625x16xf32, #tpu.memory_space<vmem_shared>>
    tpu.wait_dma2 semaphore(%arg8 : memref<!tpu.dma_semaphore, #tpu.memory_space<semaphore_mem>>) src(%arg6 : memref<625x16xf32, #tpu.memory_space<vmem>>) dst(%dma_wait3A_29 : memref<625x16xf32, #tpu.memory_space<vmem_shared>>)
    %mul3A_30 = arith.constant 10000 : i32
    %mul3A_31 = arith.muli %add3A, %mul3A_30 : i32
    %add3A_32 = arith.constant 320000 : i32
    %add3A_33 = arith.addi %add3A_32, %mul3A_31 : i32
    %dma_wait3A_34 = tpu.memref_slice %arg2[%add3A_33] : memref<640000xi32, #tpu.memory_space<hbm>> -> memref<10000xi32, #tpu.memory_space<hbm>>
    %dma_wait3A_35 = tpu.memref_slice %arg2[%add3A_33] : memref<640000xi32, #tpu.memory_space<hbm>> -> memref<10000xi32, #tpu.memory_space<hbm>>
    tpu.wait_dma2 semaphore(%arg9 : memref<!tpu.dma_semaphore, #tpu.memory_space<semaphore_mem>>) src(%dma_wait3A_35 : memref<10000xi32, #tpu.memory_space<hbm>>) dst(%arg4 : memref<10000xi32, #tpu.memory_space<vmem>>)
    %barrier3A = arith.constant 0 : index
    tpu.barrier barrier_id(%barrier3A)
    %scan3A_36 = arith.constant 0 : i32
    %scan3A_37 = arith.constant 0 : i32
    %scan3A_38 = arith.constant 125 : i32
    %scan3A_39 = arith.addi %scan3A_37, %scan3A_38 : i32
    %scan3A_40 = arith.constant 1 : i32
    %scan3A_41 = scf.for %scan3A_53 = %scan3A_37 to %scan3A_39 step %scan3A_40 iter_args(%scan3A_54 = %scan3A_36) -> (i32)  : i32 {
      %mul3A_55 = arith.constant 80 : i32
      %mul3A_56 = arith.muli %scan3A_53, %mul3A_55 : i32
      %dma_start3A_57 = tpu.memref_slice %arg4[%mul3A_56] : memref<10000xi32, #tpu.memory_space<vmem>> -> memref<80xi32, #tpu.memory_space<vmem>>
      %dma_start3A_58 = arith.constant 0 : i32
      %dma_start3A_59 = arith.constant 0 : i32
      %dma_start3A_60 = tpu.memref_slice %arg7[%dma_start3A_58, %dma_start3A_59] : memref<10000x16xf32, #tpu.memory_space<vmem_shared>> -> memref<10000x16xf32, #tpu.memory_space<vmem_shared>>
      tpu.enqueue_indirect_dma source(%arg5 : memref<80x16xf32, #tpu.memory_space<vmem>>) target(%dma_start3A_60 : memref<10000x16xf32, #tpu.memory_space<vmem_shared>>) offsets(%dma_start3A_57 : memref<80xi32, #tpu.memory_space<vmem>>) semaphore(%arg8 : memref<!tpu.dma_semaphore, #tpu.memory_space<semaphore_mem>>) {add = true}
      %gt3A = arith.constant 0 : i32
      %gt3A_61 = arith.cmpi sgt, %scan3A_53, %gt3A : i32
      %convert_element_type3A = arith.extui %gt3A_61 : i1 to i32
      %cond3A = arith.constant 0 : i32
      %cond3A_62 = arith.cmpi ne, %convert_element_type3A, %cond3A : i32
      scf.if %cond3A_62 {
        %sub3A = arith.constant 1 : i32
        %sub3A_64 = arith.subi %scan3A_53, %sub3A : i32
        %mul3A_65 = arith.constant 80 : i32
        %mul3A_66 = arith.muli %sub3A_64, %mul3A_65 : i32
        %dma_wait3A_67 = tpu.memref_slice %arg4[%mul3A_66] : memref<10000xi32, #tpu.memory_space<vmem>> -> memref<80xi32, #tpu.memory_space<vmem>>
        %dma_wait3A_68 = arith.constant 0 : i32
        %dma_wait3A_69 = arith.constant 0 : i32
        %dma_wait3A_70 = tpu.memref_slice %arg7[%dma_wait3A_68, %dma_wait3A_69] : memref<10000x16xf32, #tpu.memory_space<vmem_shared>> -> memref<10000x16xf32, #tpu.memory_space<vmem_shared>>
        tpu.wait_indirect_dma semaphore(%arg8 : memref<!tpu.dma_semaphore, #tpu.memory_space<semaphore_mem>>) src(%arg5 : memref<80x16xf32, #tpu.memory_space<vmem>>) dst(%dma_wait3A_70 : memref<10000x16xf32, #tpu.memory_space<vmem_shared>>)
      } else {
      }
      %scan3A_63 = arith.constant 0 : i32
      scf.yield %scan3A_63 : i32
    }
    %scan3A_42 = arith.constant 125 : i32
    %dma_wait3A_43 = arith.constant 9920 : i32
    %dma_wait3A_44 = tpu.memref_slice %arg4[%dma_wait3A_43] : memref<10000xi32, #tpu.memory_space<vmem>> -> memref<80xi32, #tpu.memory_space<vmem>>
    %dma_wait3A_45 = arith.constant 0 : i32
    %dma_wait3A_46 = arith.constant 0 : i32
    %dma_wait3A_47 = tpu.memref_slice %arg7[%dma_wait3A_45, %dma_wait3A_46] : memref<10000x16xf32, #tpu.memory_space<vmem_shared>> -> memref<10000x16xf32, #tpu.memory_space<vmem_shared>>
    tpu.wait_indirect_dma semaphore(%arg8 : memref<!tpu.dma_semaphore, #tpu.memory_space<semaphore_mem>>) src(%arg5 : memref<80x16xf32, #tpu.memory_space<vmem>>) dst(%dma_wait3A_47 : memref<10000x16xf32, #tpu.memory_space<vmem_shared>>)
    %barrier3A_48 = arith.constant 0 : index
    tpu.barrier barrier_id(%barrier3A_48)
    %mul3A_49 = arith.constant 625 : i32
    %mul3A_50 = arith.muli %arg1, %mul3A_49 : i32
    %mul3A_51 = arith.constant 625 : i32
    %mul3A_52 = arith.muli %arg1, %mul3A_51 : i32
    "tpu.region"() ({
      %run_scoped3A = tpu.sem_alloc : memref<!tpu.dma_semaphore, #tpu.memory_space<semaphore_mem>>
      %dma_start3A_53 = arith.constant 0 : i32
      %dma_start3A_54 = tpu.memref_slice %arg3[%arg0, %mul3A_52, %dma_start3A_53] : memref<2x10000x16xf32, #tpu.memory_space<hbm>> -> memref<1x625x16xf32, #tpu.memory_space<hbm>>
      %dma_start3A_55 = tpu.memref_squeeze %dma_start3A_54 : memref<1x625x16xf32, #tpu.memory_space<hbm>> -> memref<625x16xf32, #tpu.memory_space<hbm>>
      %dma_start3A_56 = arith.constant 0 : i32
      %dma_start3A_57 = tpu.memref_slice %arg7[%mul3A_50, %dma_start3A_56] : memref<10000x16xf32, #tpu.memory_space<vmem_shared>> -> memref<625x16xf32, #tpu.memory_space<vmem_shared>>
      tpu.enqueue_dma source(%dma_start3A_57 : memref<625x16xf32, #tpu.memory_space<vmem_shared>>) target(%dma_start3A_55 : memref<625x16xf32, #tpu.memory_space<hbm>>) target_semaphore(%run_scoped3A : memref<!tpu.dma_semaphore, #tpu.memory_space<semaphore_mem>>)
      %dma_wait3A_58 = arith.constant 0 : i32
      %dma_wait3A_59 = tpu.memref_slice %arg3[%arg0, %mul3A_52, %dma_wait3A_58] : memref<2x10000x16xf32, #tpu.memory_space<hbm>> -> memref<1x625x16xf32, #tpu.memory_space<hbm>>
      %dma_wait3A_60 = tpu.memref_squeeze %dma_wait3A_59 : memref<1x625x16xf32, #tpu.memory_space<hbm>> -> memref<625x16xf32, #tpu.memory_space<hbm>>
      %dma_wait3A_61 = arith.constant 0 : i32
      %dma_wait3A_62 = tpu.memref_slice %arg7[%mul3A_50, %dma_wait3A_61] : memref<10000x16xf32, #tpu.memory_space<vmem_shared>> -> memref<625x16xf32, #tpu.memory_space<vmem_shared>>
      tpu.wait_dma2 semaphore(%run_scoped3A : memref<!tpu.dma_semaphore, #tpu.memory_space<semaphore_mem>>) src(%dma_wait3A_62 : memref<625x16xf32, #tpu.memory_space<vmem_shared>>) dst(%dma_wait3A_60 : memref<625x16xf32, #tpu.memory_space<hbm>>)
      tpu.yield
    }) : () -> ()
    return
  }
}

#map = affine_map<(d0, d1) -> (0, 0)>
#map1 = affine_map<(d0, d1) -> (0)>
#map2 = affine_map<(d0, d1) -> (0, 0, 0)>
module attributes {stable_mosaic.version = 14 : i64} {
  func.func @agg_kernel(%arg0: i32, %arg1: i32, %arg2: memref<10000x128xf32, #tpu.memory_space<hbm>>, %arg3: memref<640000xi32, #tpu.memory_space<hbm>>, %arg4: memref<2x10000x128xf32, #tpu.memory_space<hbm>>, %arg5: memref<10000xi32, #tpu.memory_space<vmem>>, %arg6: memref<10000xi32, #tpu.memory_space<vmem>>, %arg7: memref<80x128xf32, #tpu.memory_space<vmem>>, %arg8: memref<80x128xf32, #tpu.memory_space<vmem>>, %arg9: memref<80x128xf32, #tpu.memory_space<vmem>>, %arg10: memref<10000x128xf32, #tpu.memory_space<vmem_shared>>, %arg11: memref<!tpu.dma_semaphore, #tpu.memory_space<semaphore_mem>>, %arg12: memref<!tpu.dma_semaphore, #tpu.memory_space<semaphore_mem>>, %arg13: memref<!tpu.dma_semaphore, #tpu.memory_space<semaphore_mem>>, %arg14: memref<!tpu.dma_semaphore, #tpu.memory_space<semaphore_mem>>, %arg15: memref<!tpu.dma_semaphore, #tpu.memory_space<semaphore_mem>>, %arg16: memref<!tpu.dma_semaphore, #tpu.memory_space<semaphore_mem>>) attributes {dimension_semantics = [#tpu.dimension_semantics<core_parallel>, #tpu.dimension_semantics<subcore_parallel>], iteration_bounds = array<i64: 2, 16>, scalar_prefetch = 0 : i64, scratch_operands = 12 : i64, tpu.core_type = #tpu.core_type<sc_vector_subcore>, window_params = [{transform_indices = #map}, {transform_indices = #map1}, {transform_indices = #map2}]} {
    %mul3A = arith.constant 16 : i32
    %mul3A_0 = arith.muli %arg0, %mul3A : i32
    %add3A = arith.addi %mul3A_0, %arg1 : i32
    %scan3A = arith.constant 0 : i32
    %scan3A_1 = arith.constant 0 : i32
    %scan3A_2 = arith.constant 80 : i32
    %scan3A_3 = arith.addi %scan3A_1, %scan3A_2 : i32
    %scan3A_4 = arith.constant 1 : i32
    %scan3A_5 = scf.for %scan3A_227 = %scan3A_1 to %scan3A_3 step %scan3A_4 iter_args(%scan3A_228 = %scan3A) -> (i32)  : i32 {
      %broadcast_in_dim3A = arith.constant 0.000000e+00 : f32
      %broadcast_in_dim3A_229 = vector.broadcast %broadcast_in_dim3A : f32 to vector<16xf32>
      %swap3A = arith.index_cast %scan3A_227 : i32 to index
      %swap3A_230 = arith.constant 0 : index
      %swap3A_231 = tpu.vector_load %arg7[%swap3A, %swap3A_230] {strides = array<i32>} : memref<80x128xf32, #tpu.memory_space<vmem>>, vector<1x16xf32>,
      %swap3A_232 = vector.shape_cast %swap3A_231 : vector<1x16xf32> to vector<16xf32>
      %swap3A_233 = vector.shape_cast %broadcast_in_dim3A_229 : vector<16xf32> to vector<1x16xf32>
      tpu.vector_store %arg7[%swap3A, %swap3A_230], %swap3A_233 {strides = array<i32>} : memref<80x128xf32, #tpu.memory_space<vmem>>, vector<1x16xf32>,
      %broadcast_in_dim3A_234 = arith.constant 0.000000e+00 : f32
      %broadcast_in_dim3A_235 = vector.broadcast %broadcast_in_dim3A_234 : f32 to vector<16xf32>
      %swap3A_236 = arith.index_cast %scan3A_227 : i32 to index
      %swap3A_237 = arith.constant 16 : index
      %swap3A_238 = tpu.vector_load %arg7[%swap3A_236, %swap3A_237] {strides = array<i32>} : memref<80x128xf32, #tpu.memory_space<vmem>>, vector<1x16xf32>,
      %swap3A_239 = vector.shape_cast %swap3A_238 : vector<1x16xf32> to vector<16xf32>
      %swap3A_240 = vector.shape_cast %broadcast_in_dim3A_235 : vector<16xf32> to vector<1x16xf32>
      tpu.vector_store %arg7[%swap3A_236, %swap3A_237], %swap3A_240 {strides = array<i32>} : memref<80x128xf32, #tpu.memory_space<vmem>>, vector<1x16xf32>,
      %broadcast_in_dim3A_241 = arith.constant 0.000000e+00 : f32
      %broadcast_in_dim3A_242 = vector.broadcast %broadcast_in_dim3A_241 : f32 to vector<16xf32>
      %swap3A_243 = arith.index_cast %scan3A_227 : i32 to index
      %swap3A_244 = arith.constant 32 : index
      %swap3A_245 = tpu.vector_load %arg7[%swap3A_243, %swap3A_244] {strides = array<i32>} : memref<80x128xf32, #tpu.memory_space<vmem>>, vector<1x16xf32>,
      %swap3A_246 = vector.shape_cast %swap3A_245 : vector<1x16xf32> to vector<16xf32>
      %swap3A_247 = vector.shape_cast %broadcast_in_dim3A_242 : vector<16xf32> to vector<1x16xf32>
      tpu.vector_store %arg7[%swap3A_243, %swap3A_244], %swap3A_247 {strides = array<i32>} : memref<80x128xf32, #tpu.memory_space<vmem>>, vector<1x16xf32>,
      %broadcast_in_dim3A_248 = arith.constant 0.000000e+00 : f32
      %broadcast_in_dim3A_249 = vector.broadcast %broadcast_in_dim3A_248 : f32 to vector<16xf32>
      %swap3A_250 = arith.index_cast %scan3A_227 : i32 to index
      %swap3A_251 = arith.constant 48 : index
      %swap3A_252 = tpu.vector_load %arg7[%swap3A_250, %swap3A_251] {strides = array<i32>} : memref<80x128xf32, #tpu.memory_space<vmem>>, vector<1x16xf32>,
      %swap3A_253 = vector.shape_cast %swap3A_252 : vector<1x16xf32> to vector<16xf32>
      %swap3A_254 = vector.shape_cast %broadcast_in_dim3A_249 : vector<16xf32> to vector<1x16xf32>
      tpu.vector_store %arg7[%swap3A_250, %swap3A_251], %swap3A_254 {strides = array<i32>} : memref<80x128xf32, #tpu.memory_space<vmem>>, vector<1x16xf32>,
      %broadcast_in_dim3A_255 = arith.constant 0.000000e+00 : f32
      %broadcast_in_dim3A_256 = vector.broadcast %broadcast_in_dim3A_255 : f32 to vector<16xf32>
      %swap3A_257 = arith.index_cast %scan3A_227 : i32 to index
      %swap3A_258 = arith.constant 64 : index
      %swap3A_259 = tpu.vector_load %arg7[%swap3A_257, %swap3A_258] {strides = array<i32>} : memref<80x128xf32, #tpu.memory_space<vmem>>, vector<1x16xf32>,
      %swap3A_260 = vector.shape_cast %swap3A_259 : vector<1x16xf32> to vector<16xf32>
      %swap3A_261 = vector.shape_cast %broadcast_in_dim3A_256 : vector<16xf32> to vector<1x16xf32>
      tpu.vector_store %arg7[%swap3A_257, %swap3A_258], %swap3A_261 {strides = array<i32>} : memref<80x128xf32, #tpu.memory_space<vmem>>, vector<1x16xf32>,
      %broadcast_in_dim3A_262 = arith.constant 0.000000e+00 : f32
      %broadcast_in_dim3A_263 = vector.broadcast %broadcast_in_dim3A_262 : f32 to vector<16xf32>
      %swap3A_264 = arith.index_cast %scan3A_227 : i32 to index
      %swap3A_265 = arith.constant 80 : index
      %swap3A_266 = tpu.vector_load %arg7[%swap3A_264, %swap3A_265] {strides = array<i32>} : memref<80x128xf32, #tpu.memory_space<vmem>>, vector<1x16xf32>,
      %swap3A_267 = vector.shape_cast %swap3A_266 : vector<1x16xf32> to vector<16xf32>
      %swap3A_268 = vector.shape_cast %broadcast_in_dim3A_263 : vector<16xf32> to vector<1x16xf32>
      tpu.vector_store %arg7[%swap3A_264, %swap3A_265], %swap3A_268 {strides = array<i32>} : memref<80x128xf32, #tpu.memory_space<vmem>>, vector<1x16xf32>,
      %broadcast_in_dim3A_269 = arith.constant 0.000000e+00 : f32
      %broadcast_in_dim3A_270 = vector.broadcast %broadcast_in_dim3A_269 : f32 to vector<16xf32>
      %swap3A_271 = arith.index_cast %scan3A_227 : i32 to index
      %swap3A_272 = arith.constant 96 : index
      %swap3A_273 = tpu.vector_load %arg7[%swap3A_271, %swap3A_272] {strides = array<i32>} : memref<80x128xf32, #tpu.memory_space<vmem>>, vector<1x16xf32>,
      %swap3A_274 = vector.shape_cast %swap3A_273 : vector<1x16xf32> to vector<16xf32>
      %swap3A_275 = vector.shape_cast %broadcast_in_dim3A_270 : vector<16xf32> to vector<1x16xf32>
      tpu.vector_store %arg7[%swap3A_271, %swap3A_272], %swap3A_275 {strides = array<i32>} : memref<80x128xf32, #tpu.memory_space<vmem>>, vector<1x16xf32>,
      %broadcast_in_dim3A_276 = arith.constant 0.000000e+00 : f32
      %broadcast_in_dim3A_277 = vector.broadcast %broadcast_in_dim3A_276 : f32 to vector<16xf32>
      %swap3A_278 = arith.index_cast %scan3A_227 : i32 to index
      %swap3A_279 = arith.constant 112 : index
      %swap3A_280 = tpu.vector_load %arg7[%swap3A_278, %swap3A_279] {strides = array<i32>} : memref<80x128xf32, #tpu.memory_space<vmem>>, vector<1x16xf32>,
      %swap3A_281 = vector.shape_cast %swap3A_280 : vector<1x16xf32> to vector<16xf32>
      %swap3A_282 = vector.shape_cast %broadcast_in_dim3A_277 : vector<16xf32> to vector<1x16xf32>
      tpu.vector_store %arg7[%swap3A_278, %swap3A_279], %swap3A_282 {strides = array<i32>} : memref<80x128xf32, #tpu.memory_space<vmem>>, vector<1x16xf32>,
      %scan3A_283 = arith.constant 0 : i32
      scf.yield %scan3A_283 : i32
    }
    %scan3A_6 = arith.constant 80 : i32
    %mul3A_7 = arith.constant 625 : i32
    %mul3A_8 = arith.muli %arg1, %mul3A_7 : i32
    %add3A_9 = arith.constant 0 : i32
    %add3A_10 = arith.addi %mul3A_8, %add3A_9 : i32
    %dma_start3A = arith.constant 0 : i32
    %dma_start3A_11 = tpu.memref_slice %arg10[%add3A_10, %dma_start3A] : memref<10000x128xf32, #tpu.memory_space<vmem_shared>> -> memref<80x128xf32, #tpu.memory_space<vmem_shared>>
    %dma_start3A_12 = arith.constant 0 : i32
    %dma_start3A_13 = tpu.memref_slice %arg10[%add3A_10, %dma_start3A_12] : memref<10000x128xf32, #tpu.memory_space<vmem_shared>> -> memref<80x128xf32, #tpu.memory_space<vmem_shared>>
    tpu.enqueue_dma source(%arg7 : memref<80x128xf32, #tpu.memory_space<vmem>>) target(%dma_start3A_13 : memref<80x128xf32, #tpu.memory_space<vmem_shared>>) target_semaphore(%arg14 : memref<!tpu.dma_semaphore, #tpu.memory_space<semaphore_mem>>)
    %mul3A_14 = arith.constant 625 : i32
    %mul3A_15 = arith.muli %arg1, %mul3A_14 : i32
    %add3A_16 = arith.constant 80 : i32
    %add3A_17 = arith.addi %mul3A_15, %add3A_16 : i32
    %dma_start3A_18 = arith.constant 0 : i32
    %dma_start3A_19 = tpu.memref_slice %arg10[%add3A_17, %dma_start3A_18] : memref<10000x128xf32, #tpu.memory_space<vmem_shared>> -> memref<80x128xf32, #tpu.memory_space<vmem_shared>>
    %dma_start3A_20 = arith.constant 0 : i32
    %dma_start3A_21 = tpu.memref_slice %arg10[%add3A_17, %dma_start3A_20] : memref<10000x128xf32, #tpu.memory_space<vmem_shared>> -> memref<80x128xf32, #tpu.memory_space<vmem_shared>>
    tpu.enqueue_dma source(%arg7 : memref<80x128xf32, #tpu.memory_space<vmem>>) target(%dma_start3A_21 : memref<80x128xf32, #tpu.memory_space<vmem_shared>>) target_semaphore(%arg14 : memref<!tpu.dma_semaphore, #tpu.memory_space<semaphore_mem>>)
    %mul3A_22 = arith.constant 625 : i32
    %mul3A_23 = arith.muli %arg1, %mul3A_22 : i32
    %add3A_24 = arith.constant 160 : i32
    %add3A_25 = arith.addi %mul3A_23, %add3A_24 : i32
    %dma_start3A_26 = arith.constant 0 : i32
    %dma_start3A_27 = tpu.memref_slice %arg10[%add3A_25, %dma_start3A_26] : memref<10000x128xf32, #tpu.memory_space<vmem_shared>> -> memref<80x128xf32, #tpu.memory_space<vmem_shared>>
    %dma_start3A_28 = arith.constant 0 : i32
    %dma_start3A_29 = tpu.memref_slice %arg10[%add3A_25, %dma_start3A_28] : memref<10000x128xf32, #tpu.memory_space<vmem_shared>> -> memref<80x128xf32, #tpu.memory_space<vmem_shared>>
    tpu.enqueue_dma source(%arg7 : memref<80x128xf32, #tpu.memory_space<vmem>>) target(%dma_start3A_29 : memref<80x128xf32, #tpu.memory_space<vmem_shared>>) target_semaphore(%arg14 : memref<!tpu.dma_semaphore, #tpu.memory_space<semaphore_mem>>)
    %mul3A_30 = arith.constant 625 : i32
    %mul3A_31 = arith.muli %arg1, %mul3A_30 : i32
    %add3A_32 = arith.constant 240 : i32
    %add3A_33 = arith.addi %mul3A_31, %add3A_32 : i32
    %dma_start3A_34 = arith.constant 0 : i32
    %dma_start3A_35 = tpu.memref_slice %arg10[%add3A_33, %dma_start3A_34] : memref<10000x128xf32, #tpu.memory_space<vmem_shared>> -> memref<80x128xf32, #tpu.memory_space<vmem_shared>>
    %dma_start3A_36 = arith.constant 0 : i32
    %dma_start3A_37 = tpu.memref_slice %arg10[%add3A_33, %dma_start3A_36] : memref<10000x128xf32, #tpu.memory_space<vmem_shared>> -> memref<80x128xf32, #tpu.memory_space<vmem_shared>>
    tpu.enqueue_dma source(%arg7 : memref<80x128xf32, #tpu.memory_space<vmem>>) target(%dma_start3A_37 : memref<80x128xf32, #tpu.memory_space<vmem_shared>>) target_semaphore(%arg14 : memref<!tpu.dma_semaphore, #tpu.memory_space<semaphore_mem>>)
    %mul3A_38 = arith.constant 625 : i32
    %mul3A_39 = arith.muli %arg1, %mul3A_38 : i32
    %add3A_40 = arith.constant 320 : i32
    %add3A_41 = arith.addi %mul3A_39, %add3A_40 : i32
    %dma_start3A_42 = arith.constant 0 : i32
    %dma_start3A_43 = tpu.memref_slice %arg10[%add3A_41, %dma_start3A_42] : memref<10000x128xf32, #tpu.memory_space<vmem_shared>> -> memref<80x128xf32, #tpu.memory_space<vmem_shared>>
    %dma_start3A_44 = arith.constant 0 : i32
    %dma_start3A_45 = tpu.memref_slice %arg10[%add3A_41, %dma_start3A_44] : memref<10000x128xf32, #tpu.memory_space<vmem_shared>> -> memref<80x128xf32, #tpu.memory_space<vmem_shared>>
    tpu.enqueue_dma source(%arg7 : memref<80x128xf32, #tpu.memory_space<vmem>>) target(%dma_start3A_45 : memref<80x128xf32, #tpu.memory_space<vmem_shared>>) target_semaphore(%arg14 : memref<!tpu.dma_semaphore, #tpu.memory_space<semaphore_mem>>)
    %mul3A_46 = arith.constant 625 : i32
    %mul3A_47 = arith.muli %arg1, %mul3A_46 : i32
    %add3A_48 = arith.constant 400 : i32
    %add3A_49 = arith.addi %mul3A_47, %add3A_48 : i32
    %dma_start3A_50 = arith.constant 0 : i32
    %dma_start3A_51 = tpu.memref_slice %arg10[%add3A_49, %dma_start3A_50] : memref<10000x128xf32, #tpu.memory_space<vmem_shared>> -> memref<80x128xf32, #tpu.memory_space<vmem_shared>>
    %dma_start3A_52 = arith.constant 0 : i32
    %dma_start3A_53 = tpu.memref_slice %arg10[%add3A_49, %dma_start3A_52] : memref<10000x128xf32, #tpu.memory_space<vmem_shared>> -> memref<80x128xf32, #tpu.memory_space<vmem_shared>>
    tpu.enqueue_dma source(%arg7 : memref<80x128xf32, #tpu.memory_space<vmem>>) target(%dma_start3A_53 : memref<80x128xf32, #tpu.memory_space<vmem_shared>>) target_semaphore(%arg14 : memref<!tpu.dma_semaphore, #tpu.memory_space<semaphore_mem>>)
    %mul3A_54 = arith.constant 625 : i32
    %mul3A_55 = arith.muli %arg1, %mul3A_54 : i32
    %add3A_56 = arith.constant 480 : i32
    %add3A_57 = arith.addi %mul3A_55, %add3A_56 : i32
    %dma_start3A_58 = arith.constant 0 : i32
    %dma_start3A_59 = tpu.memref_slice %arg10[%add3A_57, %dma_start3A_58] : memref<10000x128xf32, #tpu.memory_space<vmem_shared>> -> memref<80x128xf32, #tpu.memory_space<vmem_shared>>
    %dma_start3A_60 = arith.constant 0 : i32
    %dma_start3A_61 = tpu.memref_slice %arg10[%add3A_57, %dma_start3A_60] : memref<10000x128xf32, #tpu.memory_space<vmem_shared>> -> memref<80x128xf32, #tpu.memory_space<vmem_shared>>
    tpu.enqueue_dma source(%arg7 : memref<80x128xf32, #tpu.memory_space<vmem>>) target(%dma_start3A_61 : memref<80x128xf32, #tpu.memory_space<vmem_shared>>) target_semaphore(%arg14 : memref<!tpu.dma_semaphore, #tpu.memory_space<semaphore_mem>>)
    %mul3A_62 = arith.constant 625 : i32
    %mul3A_63 = arith.muli %arg1, %mul3A_62 : i32
    %add3A_64 = arith.constant 560 : i32
    %add3A_65 = arith.addi %mul3A_63, %add3A_64 : i32
    %dma_start3A_66 = arith.constant 0 : i32
    %dma_start3A_67 = arith.constant 0 : i32
    %dma_start3A_68 = tpu.memref_slice %arg7[%dma_start3A_66, %dma_start3A_67] : memref<80x128xf32, #tpu.memory_space<vmem>> -> memref<65x128xf32, #tpu.memory_space<vmem>>
    %dma_start3A_69 = arith.constant 0 : i32
    %dma_start3A_70 = tpu.memref_slice %arg10[%add3A_65, %dma_start3A_69] : memref<10000x128xf32, #tpu.memory_space<vmem_shared>> -> memref<65x128xf32, #tpu.memory_space<vmem_shared>>
    %dma_start3A_71 = arith.constant 0 : i32
    %dma_start3A_72 = tpu.memref_slice %arg10[%add3A_65, %dma_start3A_71] : memref<10000x128xf32, #tpu.memory_space<vmem_shared>> -> memref<65x128xf32, #tpu.memory_space<vmem_shared>>
    %dma_start3A_73 = arith.constant 0 : i32
    %dma_start3A_74 = arith.constant 0 : i32
    %dma_start3A_75 = tpu.memref_slice %arg7[%dma_start3A_73, %dma_start3A_74] : memref<80x128xf32, #tpu.memory_space<vmem>> -> memref<65x128xf32, #tpu.memory_space<vmem>>
    tpu.enqueue_dma source(%dma_start3A_75 : memref<65x128xf32, #tpu.memory_space<vmem>>) target(%dma_start3A_72 : memref<65x128xf32, #tpu.memory_space<vmem_shared>>) target_semaphore(%arg15 : memref<!tpu.dma_semaphore, #tpu.memory_space<semaphore_mem>>)
    %mul3A_76 = arith.constant 10000 : i32
    %mul3A_77 = arith.muli %add3A, %mul3A_76 : i32
    %dma_start3A_78 = tpu.memref_slice %arg3[%mul3A_77] : memref<640000xi32, #tpu.memory_space<hbm>> -> memref<10000xi32, #tpu.memory_space<hbm>>
    %dma_start3A_79 = tpu.memref_slice %arg3[%mul3A_77] : memref<640000xi32, #tpu.memory_space<hbm>> -> memref<10000xi32, #tpu.memory_space<hbm>>
    tpu.enqueue_dma source(%dma_start3A_79 : memref<10000xi32, #tpu.memory_space<hbm>>) target(%arg5 : memref<10000xi32, #tpu.memory_space<vmem>>) target_semaphore(%arg11 : memref<!tpu.dma_semaphore, #tpu.memory_space<semaphore_mem>>)
    %mul3A_80 = arith.constant 10000 : i32
    %mul3A_81 = arith.muli %add3A, %mul3A_80 : i32
    %add3A_82 = arith.constant 320000 : i32
    %add3A_83 = arith.addi %add3A_82, %mul3A_81 : i32
    %dma_start3A_84 = tpu.memref_slice %arg3[%add3A_83] : memref<640000xi32, #tpu.memory_space<hbm>> -> memref<10000xi32, #tpu.memory_space<hbm>>
    %dma_start3A_85 = tpu.memref_slice %arg3[%add3A_83] : memref<640000xi32, #tpu.memory_space<hbm>> -> memref<10000xi32, #tpu.memory_space<hbm>>
    tpu.enqueue_dma source(%dma_start3A_85 : memref<10000xi32, #tpu.memory_space<hbm>>) target(%arg6 : memref<10000xi32, #tpu.memory_space<vmem>>) target_semaphore(%arg12 : memref<!tpu.dma_semaphore, #tpu.memory_space<semaphore_mem>>)
    %mul3A_86 = arith.constant 625 : i32
    %mul3A_87 = arith.muli %arg1, %mul3A_86 : i32
    %add3A_88 = arith.constant 0 : i32
    %add3A_89 = arith.addi %mul3A_87, %add3A_88 : i32
    %dma_wait3A = arith.constant 0 : i32
    %dma_wait3A_90 = tpu.memref_slice %arg10[%add3A_89, %dma_wait3A] : memref<10000x128xf32, #tpu.memory_space<vmem_shared>> -> memref<80x128xf32, #tpu.memory_space<vmem_shared>>
    %dma_wait3A_91 = arith.constant 0 : i32
    %dma_wait3A_92 = tpu.memref_slice %arg10[%add3A_89, %dma_wait3A_91] : memref<10000x128xf32, #tpu.memory_space<vmem_shared>> -> memref<80x128xf32, #tpu.memory_space<vmem_shared>>
    tpu.wait_dma2 semaphore(%arg14 : memref<!tpu.dma_semaphore, #tpu.memory_space<semaphore_mem>>) src(%arg7 : memref<80x128xf32, #tpu.memory_space<vmem>>) dst(%dma_wait3A_92 : memref<80x128xf32, #tpu.memory_space<vmem_shared>>)
    %mul3A_93 = arith.constant 625 : i32
    %mul3A_94 = arith.muli %arg1, %mul3A_93 : i32
    %add3A_95 = arith.constant 80 : i32
    %add3A_96 = arith.addi %mul3A_94, %add3A_95 : i32
    %dma_wait3A_97 = arith.constant 0 : i32
    %dma_wait3A_98 = tpu.memref_slice %arg10[%add3A_96, %dma_wait3A_97] : memref<10000x128xf32, #tpu.memory_space<vmem_shared>> -> memref<80x128xf32, #tpu.memory_space<vmem_shared>>
    %dma_wait3A_99 = arith.constant 0 : i32
    %dma_wait3A_100 = tpu.memref_slice %arg10[%add3A_96, %dma_wait3A_99] : memref<10000x128xf32, #tpu.memory_space<vmem_shared>> -> memref<80x128xf32, #tpu.memory_space<vmem_shared>>
    tpu.wait_dma2 semaphore(%arg14 : memref<!tpu.dma_semaphore, #tpu.memory_space<semaphore_mem>>) src(%arg7 : memref<80x128xf32, #tpu.memory_space<vmem>>) dst(%dma_wait3A_100 : memref<80x128xf32, #tpu.memory_space<vmem_shared>>)
    %mul3A_101 = arith.constant 625 : i32
    %mul3A_102 = arith.muli %arg1, %mul3A_101 : i32
    %add3A_103 = arith.constant 160 : i32
    %add3A_104 = arith.addi %mul3A_102, %add3A_103 : i32
    %dma_wait3A_105 = arith.constant 0 : i32
    %dma_wait3A_106 = tpu.memref_slice %arg10[%add3A_104, %dma_wait3A_105] : memref<10000x128xf32, #tpu.memory_space<vmem_shared>> -> memref<80x128xf32, #tpu.memory_space<vmem_shared>>
    %dma_wait3A_107 = arith.constant 0 : i32
    %dma_wait3A_108 = tpu.memref_slice %arg10[%add3A_104, %dma_wait3A_107] : memref<10000x128xf32, #tpu.memory_space<vmem_shared>> -> memref<80x128xf32, #tpu.memory_space<vmem_shared>>
    tpu.wait_dma2 semaphore(%arg14 : memref<!tpu.dma_semaphore, #tpu.memory_space<semaphore_mem>>) src(%arg7 : memref<80x128xf32, #tpu.memory_space<vmem>>) dst(%dma_wait3A_108 : memref<80x128xf32, #tpu.memory_space<vmem_shared>>)
    %mul3A_109 = arith.constant 625 : i32
    %mul3A_110 = arith.muli %arg1, %mul3A_109 : i32
    %add3A_111 = arith.constant 240 : i32
    %add3A_112 = arith.addi %mul3A_110, %add3A_111 : i32
    %dma_wait3A_113 = arith.constant 0 : i32
    %dma_wait3A_114 = tpu.memref_slice %arg10[%add3A_112, %dma_wait3A_113] : memref<10000x128xf32, #tpu.memory_space<vmem_shared>> -> memref<80x128xf32, #tpu.memory_space<vmem_shared>>
    %dma_wait3A_115 = arith.constant 0 : i32
    %dma_wait3A_116 = tpu.memref_slice %arg10[%add3A_112, %dma_wait3A_115] : memref<10000x128xf32, #tpu.memory_space<vmem_shared>> -> memref<80x128xf32, #tpu.memory_space<vmem_shared>>
    tpu.wait_dma2 semaphore(%arg14 : memref<!tpu.dma_semaphore, #tpu.memory_space<semaphore_mem>>) src(%arg7 : memref<80x128xf32, #tpu.memory_space<vmem>>) dst(%dma_wait3A_116 : memref<80x128xf32, #tpu.memory_space<vmem_shared>>)
    %mul3A_117 = arith.constant 625 : i32
    %mul3A_118 = arith.muli %arg1, %mul3A_117 : i32
    %add3A_119 = arith.constant 320 : i32
    %add3A_120 = arith.addi %mul3A_118, %add3A_119 : i32
    %dma_wait3A_121 = arith.constant 0 : i32
    %dma_wait3A_122 = tpu.memref_slice %arg10[%add3A_120, %dma_wait3A_121] : memref<10000x128xf32, #tpu.memory_space<vmem_shared>> -> memref<80x128xf32, #tpu.memory_space<vmem_shared>>
    %dma_wait3A_123 = arith.constant 0 : i32
    %dma_wait3A_124 = tpu.memref_slice %arg10[%add3A_120, %dma_wait3A_123] : memref<10000x128xf32, #tpu.memory_space<vmem_shared>> -> memref<80x128xf32, #tpu.memory_space<vmem_shared>>
    tpu.wait_dma2 semaphore(%arg14 : memref<!tpu.dma_semaphore, #tpu.memory_space<semaphore_mem>>) src(%arg7 : memref<80x128xf32, #tpu.memory_space<vmem>>) dst(%dma_wait3A_124 : memref<80x128xf32, #tpu.memory_space<vmem_shared>>)
    %mul3A_125 = arith.constant 625 : i32
    %mul3A_126 = arith.muli %arg1, %mul3A_125 : i32
    %add3A_127 = arith.constant 400 : i32
    %add3A_128 = arith.addi %mul3A_126, %add3A_127 : i32
    %dma_wait3A_129 = arith.constant 0 : i32
    %dma_wait3A_130 = tpu.memref_slice %arg10[%add3A_128, %dma_wait3A_129] : memref<10000x128xf32, #tpu.memory_space<vmem_shared>> -> memref<80x128xf32, #tpu.memory_space<vmem_shared>>
    %dma_wait3A_131 = arith.constant 0 : i32
    %dma_wait3A_132 = tpu.memref_slice %arg10[%add3A_128, %dma_wait3A_131] : memref<10000x128xf32, #tpu.memory_space<vmem_shared>> -> memref<80x128xf32, #tpu.memory_space<vmem_shared>>
    tpu.wait_dma2 semaphore(%arg14 : memref<!tpu.dma_semaphore, #tpu.memory_space<semaphore_mem>>) src(%arg7 : memref<80x128xf32, #tpu.memory_space<vmem>>) dst(%dma_wait3A_132 : memref<80x128xf32, #tpu.memory_space<vmem_shared>>)
    %mul3A_133 = arith.constant 625 : i32
    %mul3A_134 = arith.muli %arg1, %mul3A_133 : i32
    %add3A_135 = arith.constant 480 : i32
    %add3A_136 = arith.addi %mul3A_134, %add3A_135 : i32
    %dma_wait3A_137 = arith.constant 0 : i32
    %dma_wait3A_138 = tpu.memref_slice %arg10[%add3A_136, %dma_wait3A_137] : memref<10000x128xf32, #tpu.memory_space<vmem_shared>> -> memref<80x128xf32, #tpu.memory_space<vmem_shared>>
    %dma_wait3A_139 = arith.constant 0 : i32
    %dma_wait3A_140 = tpu.memref_slice %arg10[%add3A_136, %dma_wait3A_139] : memref<10000x128xf32, #tpu.memory_space<vmem_shared>> -> memref<80x128xf32, #tpu.memory_space<vmem_shared>>
    tpu.wait_dma2 semaphore(%arg14 : memref<!tpu.dma_semaphore, #tpu.memory_space<semaphore_mem>>) src(%arg7 : memref<80x128xf32, #tpu.memory_space<vmem>>) dst(%dma_wait3A_140 : memref<80x128xf32, #tpu.memory_space<vmem_shared>>)
    %mul3A_141 = arith.constant 625 : i32
    %mul3A_142 = arith.muli %arg1, %mul3A_141 : i32
    %add3A_143 = arith.constant 560 : i32
    %add3A_144 = arith.addi %mul3A_142, %add3A_143 : i32
    %dma_wait3A_145 = arith.constant 0 : i32
    %dma_wait3A_146 = arith.constant 0 : i32
    %dma_wait3A_147 = tpu.memref_slice %arg7[%dma_wait3A_145, %dma_wait3A_146] : memref<80x128xf32, #tpu.memory_space<vmem>> -> memref<65x128xf32, #tpu.memory_space<vmem>>
    %dma_wait3A_148 = arith.constant 0 : i32
    %dma_wait3A_149 = tpu.memref_slice %arg10[%add3A_144, %dma_wait3A_148] : memref<10000x128xf32, #tpu.memory_space<vmem_shared>> -> memref<65x128xf32, #tpu.memory_space<vmem_shared>>
    %dma_wait3A_150 = arith.constant 0 : i32
    %dma_wait3A_151 = tpu.memref_slice %arg10[%add3A_144, %dma_wait3A_150] : memref<10000x128xf32, #tpu.memory_space<vmem_shared>> -> memref<65x128xf32, #tpu.memory_space<vmem_shared>>
    %dma_wait3A_152 = arith.constant 0 : i32
    %dma_wait3A_153 = arith.constant 0 : i32
    %dma_wait3A_154 = tpu.memref_slice %arg7[%dma_wait3A_152, %dma_wait3A_153] : memref<80x128xf32, #tpu.memory_space<vmem>> -> memref<65x128xf32, #tpu.memory_space<vmem>>
    tpu.wait_dma2 semaphore(%arg15 : memref<!tpu.dma_semaphore, #tpu.memory_space<semaphore_mem>>) src(%dma_wait3A_154 : memref<65x128xf32, #tpu.memory_space<vmem>>) dst(%dma_wait3A_151 : memref<65x128xf32, #tpu.memory_space<vmem_shared>>)
    %mul3A_155 = arith.constant 10000 : i32
    %mul3A_156 = arith.muli %add3A, %mul3A_155 : i32
    %dma_wait3A_157 = tpu.memref_slice %arg3[%mul3A_156] : memref<640000xi32, #tpu.memory_space<hbm>> -> memref<10000xi32, #tpu.memory_space<hbm>>
    %dma_wait3A_158 = tpu.memref_slice %arg3[%mul3A_156] : memref<640000xi32, #tpu.memory_space<hbm>> -> memref<10000xi32, #tpu.memory_space<hbm>>
    tpu.wait_dma2 semaphore(%arg11 : memref<!tpu.dma_semaphore, #tpu.memory_space<semaphore_mem>>) src(%dma_wait3A_158 : memref<10000xi32, #tpu.memory_space<hbm>>) dst(%arg5 : memref<10000xi32, #tpu.memory_space<vmem>>)
    %mul3A_159 = arith.constant 10000 : i32
    %mul3A_160 = arith.muli %add3A, %mul3A_159 : i32
    %add3A_161 = arith.constant 320000 : i32
    %add3A_162 = arith.addi %add3A_161, %mul3A_160 : i32
    %dma_wait3A_163 = tpu.memref_slice %arg3[%add3A_162] : memref<640000xi32, #tpu.memory_space<hbm>> -> memref<10000xi32, #tpu.memory_space<hbm>>
    %dma_wait3A_164 = tpu.memref_slice %arg3[%add3A_162] : memref<640000xi32, #tpu.memory_space<hbm>> -> memref<10000xi32, #tpu.memory_space<hbm>>
    tpu.wait_dma2 semaphore(%arg12 : memref<!tpu.dma_semaphore, #tpu.memory_space<semaphore_mem>>) src(%dma_wait3A_164 : memref<10000xi32, #tpu.memory_space<hbm>>) dst(%arg6 : memref<10000xi32, #tpu.memory_space<vmem>>)
    %barrier3A = arith.constant 0 : index
    tpu.barrier barrier_id(%barrier3A)
    %dma_start3A_165 = arith.constant 0 : i32
    %dma_start3A_166 = tpu.memref_slice %arg5[%dma_start3A_165] : memref<10000xi32, #tpu.memory_space<vmem>> -> memref<80xi32, #tpu.memory_space<vmem>>
    %dma_start3A_167 = arith.constant 0 : i32
    %dma_start3A_168 = arith.constant 0 : i32
    %dma_start3A_169 = tpu.memref_slice %arg2[%dma_start3A_167, %dma_start3A_168] : memref<10000x128xf32, #tpu.memory_space<hbm>> -> memref<10000x128xf32, #tpu.memory_space<hbm>>
    tpu.enqueue_indirect_dma source(%dma_start3A_169 : memref<10000x128xf32, #tpu.memory_space<hbm>>) target(%arg7 : memref<80x128xf32, #tpu.memory_space<vmem>>) offsets(%dma_start3A_166 : memref<80xi32, #tpu.memory_space<vmem>>) semaphore(%arg11 : memref<!tpu.dma_semaphore, #tpu.memory_space<semaphore_mem>>)
    %scan3A_170 = arith.constant 0 : i32
    %scan3A_171 = arith.constant 0 : i32
    %scan3A_172 = arith.constant 41 : i32
    %scan3A_173 = arith.addi %scan3A_171, %scan3A_172 : i32
    %scan3A_174 = arith.constant 1 : i32
    %scan3A_175 = scf.for %scan3A_227 = %scan3A_171 to %scan3A_173 step %scan3A_174 iter_args(%scan3A_228 = %scan3A_170) -> (i32)  : i32 {
      %mul3A_229 = arith.constant 3 : i32
      %mul3A_230 = arith.muli %mul3A_229, %scan3A_227 : i32
      %add3A_231 = arith.constant 1 : i32
      %add3A_232 = arith.addi %mul3A_230, %add3A_231 : i32
      %lt3A = arith.constant 125 : i32
      %lt3A_233 = arith.cmpi slt, %add3A_232, %lt3A : i32
      %convert_element_type3A = arith.extui %lt3A_233 : i1 to i32
      %cond3A = arith.constant 0 : i32
      %cond3A_234 = arith.cmpi ne, %convert_element_type3A, %cond3A : i32
      scf.if %cond3A_234 {
        %add3A_294 = arith.constant 1 : i32
        %add3A_295 = arith.addi %mul3A_230, %add3A_294 : i32
        %ge3A = arith.constant 3 : i32
        %ge3A_296 = arith.cmpi sge, %add3A_295, %ge3A : i32
        %convert_element_type3A_297 = arith.extui %ge3A_296 : i1 to i32
        %cond3A_298 = arith.constant 0 : i32
        %cond3A_299 = arith.cmpi ne, %convert_element_type3A_297, %cond3A_298 : i32
        scf.if %cond3A_299 {
          %sub3A = arith.constant 2 : i32
          %sub3A_308 = arith.subi %mul3A_230, %sub3A : i32
          %mul3A_309 = arith.constant 80 : i32
          %mul3A_310 = arith.muli %sub3A_308, %mul3A_309 : i32
          %dma_wait3A_311 = tpu.memref_slice %arg6[%mul3A_310] : memref<10000xi32, #tpu.memory_space<vmem>> -> memref<80xi32, #tpu.memory_space<vmem>>
          %dma_wait3A_312 = arith.constant 0 : i32
          %dma_wait3A_313 = arith.constant 0 : i32
          %dma_wait3A_314 = tpu.memref_slice %arg10[%dma_wait3A_312, %dma_wait3A_313] : memref<10000x128xf32, #tpu.memory_space<vmem_shared>> -> memref<10000x128xf32, #tpu.memory_space<vmem_shared>>
          tpu.wait_indirect_dma semaphore(%arg15 : memref<!tpu.dma_semaphore, #tpu.memory_space<semaphore_mem>>) src(%arg8 : memref<80x128xf32, #tpu.memory_space<vmem>>) dst(%dma_wait3A_314 : memref<10000x128xf32, #tpu.memory_space<vmem_shared>>)
        } else {
        }
        %add3A_300 = arith.constant 1 : i32
        %add3A_301 = arith.addi %mul3A_230, %add3A_300 : i32
        %mul3A_302 = arith.constant 80 : i32
        %mul3A_303 = arith.muli %add3A_301, %mul3A_302 : i32
        %dma_start3A_304 = tpu.memref_slice %arg5[%mul3A_303] : memref<10000xi32, #tpu.memory_space<vmem>> -> memref<80xi32, #tpu.memory_space<vmem>>
        %dma_start3A_305 = arith.constant 0 : i32
        %dma_start3A_306 = arith.constant 0 : i32
        %dma_start3A_307 = tpu.memref_slice %arg2[%dma_start3A_305, %dma_start3A_306] : memref<10000x128xf32, #tpu.memory_space<hbm>> -> memref<10000x128xf32, #tpu.memory_space<hbm>>
        tpu.enqueue_indirect_dma source(%dma_start3A_307 : memref<10000x128xf32, #tpu.memory_space<hbm>>) target(%arg8 : memref<80x128xf32, #tpu.memory_space<vmem>>) offsets(%dma_start3A_304 : memref<80xi32, #tpu.memory_space<vmem>>) semaphore(%arg12 : memref<!tpu.dma_semaphore, #tpu.memory_space<semaphore_mem>>)
      } else {
      }
      %mul3A_235 = arith.constant 80 : i32
      %mul3A_236 = arith.muli %mul3A_230, %mul3A_235 : i32
      %dma_wait3A_237 = tpu.memref_slice %arg5[%mul3A_236] : memref<10000xi32, #tpu.memory_space<vmem>> -> memref<80xi32, #tpu.memory_space<vmem>>
      %dma_wait3A_238 = arith.constant 0 : i32
      %dma_wait3A_239 = arith.constant 0 : i32
      %dma_wait3A_240 = tpu.memref_slice %arg2[%dma_wait3A_238, %dma_wait3A_239] : memref<10000x128xf32, #tpu.memory_space<hbm>> -> memref<10000x128xf32, #tpu.memory_space<hbm>>
      tpu.wait_indirect_dma semaphore(%arg11 : memref<!tpu.dma_semaphore, #tpu.memory_space<semaphore_mem>>) src(%dma_wait3A_240 : memref<10000x128xf32, #tpu.memory_space<hbm>>) dst(%arg7 : memref<80x128xf32, #tpu.memory_space<vmem>>)
      %mul3A_241 = arith.constant 80 : i32
      %mul3A_242 = arith.muli %mul3A_230, %mul3A_241 : i32
      %dma_start3A_243 = tpu.memref_slice %arg6[%mul3A_242] : memref<10000xi32, #tpu.memory_space<vmem>> -> memref<80xi32, #tpu.memory_space<vmem>>
      %dma_start3A_244 = arith.constant 0 : i32
      %dma_start3A_245 = arith.constant 0 : i32
      %dma_start3A_246 = tpu.memref_slice %arg10[%dma_start3A_244, %dma_start3A_245] : memref<10000x128xf32, #tpu.memory_space<vmem_shared>> -> memref<10000x128xf32, #tpu.memory_space<vmem_shared>>
      tpu.enqueue_indirect_dma source(%arg7 : memref<80x128xf32, #tpu.memory_space<vmem>>) target(%dma_start3A_246 : memref<10000x128xf32, #tpu.memory_space<vmem_shared>>) offsets(%dma_start3A_243 : memref<80xi32, #tpu.memory_space<vmem>>) semaphore(%arg14 : memref<!tpu.dma_semaphore, #tpu.memory_space<semaphore_mem>>) {add = true}
      %mul3A_247 = arith.constant 3 : i32
      %mul3A_248 = arith.muli %mul3A_247, %scan3A_227 : i32
      %add3A_249 = arith.constant 1 : i32
      %add3A_250 = arith.addi %mul3A_248, %add3A_249 : i32
      %add3A_251 = arith.constant 1 : i32
      %add3A_252 = arith.addi %add3A_250, %add3A_251 : i32
      %lt3A_253 = arith.constant 125 : i32
      %lt3A_254 = arith.cmpi slt, %add3A_252, %lt3A_253 : i32
      %convert_element_type3A_255 = arith.extui %lt3A_254 : i1 to i32
      %cond3A_256 = arith.constant 0 : i32
      %cond3A_257 = arith.cmpi ne, %convert_element_type3A_255, %cond3A_256 : i32
      scf.if %cond3A_257 {
        %add3A_294 = arith.constant 1 : i32
        %add3A_295 = arith.addi %add3A_250, %add3A_294 : i32
        %ge3A = arith.constant 3 : i32
        %ge3A_296 = arith.cmpi sge, %add3A_295, %ge3A : i32
        %convert_element_type3A_297 = arith.extui %ge3A_296 : i1 to i32
        %cond3A_298 = arith.constant 0 : i32
        %cond3A_299 = arith.cmpi ne, %convert_element_type3A_297, %cond3A_298 : i32
        scf.if %cond3A_299 {
          %sub3A = arith.constant 2 : i32
          %sub3A_308 = arith.subi %add3A_250, %sub3A : i32
          %mul3A_309 = arith.constant 80 : i32
          %mul3A_310 = arith.muli %sub3A_308, %mul3A_309 : i32
          %dma_wait3A_311 = tpu.memref_slice %arg6[%mul3A_310] : memref<10000xi32, #tpu.memory_space<vmem>> -> memref<80xi32, #tpu.memory_space<vmem>>
          %dma_wait3A_312 = arith.constant 0 : i32
          %dma_wait3A_313 = arith.constant 0 : i32
          %dma_wait3A_314 = tpu.memref_slice %arg10[%dma_wait3A_312, %dma_wait3A_313] : memref<10000x128xf32, #tpu.memory_space<vmem_shared>> -> memref<10000x128xf32, #tpu.memory_space<vmem_shared>>
          tpu.wait_indirect_dma semaphore(%arg16 : memref<!tpu.dma_semaphore, #tpu.memory_space<semaphore_mem>>) src(%arg9 : memref<80x128xf32, #tpu.memory_space<vmem>>) dst(%dma_wait3A_314 : memref<10000x128xf32, #tpu.memory_space<vmem_shared>>)
        } else {
        }
        %add3A_300 = arith.constant 1 : i32
        %add3A_301 = arith.addi %add3A_250, %add3A_300 : i32
        %mul3A_302 = arith.constant 80 : i32
        %mul3A_303 = arith.muli %add3A_301, %mul3A_302 : i32
        %dma_start3A_304 = tpu.memref_slice %arg5[%mul3A_303] : memref<10000xi32, #tpu.memory_space<vmem>> -> memref<80xi32, #tpu.memory_space<vmem>>
        %dma_start3A_305 = arith.constant 0 : i32
        %dma_start3A_306 = arith.constant 0 : i32
        %dma_start3A_307 = tpu.memref_slice %arg2[%dma_start3A_305, %dma_start3A_306] : memref<10000x128xf32, #tpu.memory_space<hbm>> -> memref<10000x128xf32, #tpu.memory_space<hbm>>
        tpu.enqueue_indirect_dma source(%dma_start3A_307 : memref<10000x128xf32, #tpu.memory_space<hbm>>) target(%arg9 : memref<80x128xf32, #tpu.memory_space<vmem>>) offsets(%dma_start3A_304 : memref<80xi32, #tpu.memory_space<vmem>>) semaphore(%arg13 : memref<!tpu.dma_semaphore, #tpu.memory_space<semaphore_mem>>)
      } else {
      }
      %mul3A_258 = arith.constant 80 : i32
      %mul3A_259 = arith.muli %add3A_250, %mul3A_258 : i32
      %dma_wait3A_260 = tpu.memref_slice %arg5[%mul3A_259] : memref<10000xi32, #tpu.memory_space<vmem>> -> memref<80xi32, #tpu.memory_space<vmem>>
      %dma_wait3A_261 = arith.constant 0 : i32
      %dma_wait3A_262 = arith.constant 0 : i32
      %dma_wait3A_263 = tpu.memref_slice %arg2[%dma_wait3A_261, %dma_wait3A_262] : memref<10000x128xf32, #tpu.memory_space<hbm>> -> memref<10000x128xf32, #tpu.memory_space<hbm>>
      tpu.wait_indirect_dma semaphore(%arg12 : memref<!tpu.dma_semaphore, #tpu.memory_space<semaphore_mem>>) src(%dma_wait3A_263 : memref<10000x128xf32, #tpu.memory_space<hbm>>) dst(%arg8 : memref<80x128xf32, #tpu.memory_space<vmem>>)
      %mul3A_264 = arith.constant 80 : i32
      %mul3A_265 = arith.muli %add3A_250, %mul3A_264 : i32
      %dma_start3A_266 = tpu.memref_slice %arg6[%mul3A_265] : memref<10000xi32, #tpu.memory_space<vmem>> -> memref<80xi32, #tpu.memory_space<vmem>>
      %dma_start3A_267 = arith.constant 0 : i32
      %dma_start3A_268 = arith.constant 0 : i32
      %dma_start3A_269 = tpu.memref_slice %arg10[%dma_start3A_267, %dma_start3A_268] : memref<10000x128xf32, #tpu.memory_space<vmem_shared>> -> memref<10000x128xf32, #tpu.memory_space<vmem_shared>>
      tpu.enqueue_indirect_dma source(%arg8 : memref<80x128xf32, #tpu.memory_space<vmem>>) target(%dma_start3A_269 : memref<10000x128xf32, #tpu.memory_space<vmem_shared>>) offsets(%dma_start3A_266 : memref<80xi32, #tpu.memory_space<vmem>>) semaphore(%arg15 : memref<!tpu.dma_semaphore, #tpu.memory_space<semaphore_mem>>) {add = true}
      %mul3A_270 = arith.constant 3 : i32
      %mul3A_271 = arith.muli %mul3A_270, %scan3A_227 : i32
      %add3A_272 = arith.constant 2 : i32
      %add3A_273 = arith.addi %mul3A_271, %add3A_272 : i32
      %add3A_274 = arith.constant 1 : i32
      %add3A_275 = arith.addi %add3A_273, %add3A_274 : i32
      %lt3A_276 = arith.constant 125 : i32
      %lt3A_277 = arith.cmpi slt, %add3A_275, %lt3A_276 : i32
      %convert_element_type3A_278 = arith.extui %lt3A_277 : i1 to i32
      %cond3A_279 = arith.constant 0 : i32
      %cond3A_280 = arith.cmpi ne, %convert_element_type3A_278, %cond3A_279 : i32
      scf.if %cond3A_280 {
        %add3A_294 = arith.constant 1 : i32
        %add3A_295 = arith.addi %add3A_273, %add3A_294 : i32
        %ge3A = arith.constant 3 : i32
        %ge3A_296 = arith.cmpi sge, %add3A_295, %ge3A : i32
        %convert_element_type3A_297 = arith.extui %ge3A_296 : i1 to i32
        %cond3A_298 = arith.constant 0 : i32
        %cond3A_299 = arith.cmpi ne, %convert_element_type3A_297, %cond3A_298 : i32
        scf.if %cond3A_299 {
          %sub3A = arith.constant 2 : i32
          %sub3A_308 = arith.subi %add3A_273, %sub3A : i32
          %mul3A_309 = arith.constant 80 : i32
          %mul3A_310 = arith.muli %sub3A_308, %mul3A_309 : i32
          %dma_wait3A_311 = tpu.memref_slice %arg6[%mul3A_310] : memref<10000xi32, #tpu.memory_space<vmem>> -> memref<80xi32, #tpu.memory_space<vmem>>
          %dma_wait3A_312 = arith.constant 0 : i32
          %dma_wait3A_313 = arith.constant 0 : i32
          %dma_wait3A_314 = tpu.memref_slice %arg10[%dma_wait3A_312, %dma_wait3A_313] : memref<10000x128xf32, #tpu.memory_space<vmem_shared>> -> memref<10000x128xf32, #tpu.memory_space<vmem_shared>>
          tpu.wait_indirect_dma semaphore(%arg14 : memref<!tpu.dma_semaphore, #tpu.memory_space<semaphore_mem>>) src(%arg7 : memref<80x128xf32, #tpu.memory_space<vmem>>) dst(%dma_wait3A_314 : memref<10000x128xf32, #tpu.memory_space<vmem_shared>>)
        } else {
        }
        %add3A_300 = arith.constant 1 : i32
        %add3A_301 = arith.addi %add3A_273, %add3A_300 : i32
        %mul3A_302 = arith.constant 80 : i32
        %mul3A_303 = arith.muli %add3A_301, %mul3A_302 : i32
        %dma_start3A_304 = tpu.memref_slice %arg5[%mul3A_303] : memref<10000xi32, #tpu.memory_space<vmem>> -> memref<80xi32, #tpu.memory_space<vmem>>
        %dma_start3A_305 = arith.constant 0 : i32
        %dma_start3A_306 = arith.constant 0 : i32
        %dma_start3A_307 = tpu.memref_slice %arg2[%dma_start3A_305, %dma_start3A_306] : memref<10000x128xf32, #tpu.memory_space<hbm>> -> memref<10000x128xf32, #tpu.memory_space<hbm>>
        tpu.enqueue_indirect_dma source(%dma_start3A_307 : memref<10000x128xf32, #tpu.memory_space<hbm>>) target(%arg7 : memref<80x128xf32, #tpu.memory_space<vmem>>) offsets(%dma_start3A_304 : memref<80xi32, #tpu.memory_space<vmem>>) semaphore(%arg11 : memref<!tpu.dma_semaphore, #tpu.memory_space<semaphore_mem>>)
      } else {
      }
      %mul3A_281 = arith.constant 80 : i32
      %mul3A_282 = arith.muli %add3A_273, %mul3A_281 : i32
      %dma_wait3A_283 = tpu.memref_slice %arg5[%mul3A_282] : memref<10000xi32, #tpu.memory_space<vmem>> -> memref<80xi32, #tpu.memory_space<vmem>>
      %dma_wait3A_284 = arith.constant 0 : i32
      %dma_wait3A_285 = arith.constant 0 : i32
      %dma_wait3A_286 = tpu.memref_slice %arg2[%dma_wait3A_284, %dma_wait3A_285] : memref<10000x128xf32, #tpu.memory_space<hbm>> -> memref<10000x128xf32, #tpu.memory_space<hbm>>
      tpu.wait_indirect_dma semaphore(%arg13 : memref<!tpu.dma_semaphore, #tpu.memory_space<semaphore_mem>>) src(%dma_wait3A_286 : memref<10000x128xf32, #tpu.memory_space<hbm>>) dst(%arg9 : memref<80x128xf32, #tpu.memory_space<vmem>>)
      %mul3A_287 = arith.constant 80 : i32
      %mul3A_288 = arith.muli %add3A_273, %mul3A_287 : i32
      %dma_start3A_289 = tpu.memref_slice %arg6[%mul3A_288] : memref<10000xi32, #tpu.memory_space<vmem>> -> memref<80xi32, #tpu.memory_space<vmem>>
      %dma_start3A_290 = arith.constant 0 : i32
      %dma_start3A_291 = arith.constant 0 : i32
      %dma_start3A_292 = tpu.memref_slice %arg10[%dma_start3A_290, %dma_start3A_291] : memref<10000x128xf32, #tpu.memory_space<vmem_shared>> -> memref<10000x128xf32, #tpu.memory_space<vmem_shared>>
      tpu.enqueue_indirect_dma source(%arg9 : memref<80x128xf32, #tpu.memory_space<vmem>>) target(%dma_start3A_292 : memref<10000x128xf32, #tpu.memory_space<vmem_shared>>) offsets(%dma_start3A_289 : memref<80xi32, #tpu.memory_space<vmem>>) semaphore(%arg16 : memref<!tpu.dma_semaphore, #tpu.memory_space<semaphore_mem>>) {add = true}
      %scan3A_293 = arith.constant 0 : i32
      scf.yield %scan3A_293 : i32
    }
    %scan3A_176 = arith.constant 41 : i32
    %dma_wait3A_177 = arith.constant 9680 : i32
    %dma_wait3A_178 = tpu.memref_slice %arg6[%dma_wait3A_177] : memref<10000xi32, #tpu.memory_space<vmem>> -> memref<80xi32, #tpu.memory_space<vmem>>
    %dma_wait3A_179 = arith.constant 0 : i32
    %dma_wait3A_180 = arith.constant 0 : i32
    %dma_wait3A_181 = tpu.memref_slice %arg10[%dma_wait3A_179, %dma_wait3A_180] : memref<10000x128xf32, #tpu.memory_space<vmem_shared>> -> memref<10000x128xf32, #tpu.memory_space<vmem_shared>>
    tpu.wait_indirect_dma semaphore(%arg15 : memref<!tpu.dma_semaphore, #tpu.memory_space<semaphore_mem>>) src(%arg8 : memref<80x128xf32, #tpu.memory_space<vmem>>) dst(%dma_wait3A_181 : memref<10000x128xf32, #tpu.memory_space<vmem_shared>>)
    %dma_start3A_182 = arith.constant 9920 : i32
    %dma_start3A_183 = tpu.memref_slice %arg5[%dma_start3A_182] : memref<10000xi32, #tpu.memory_space<vmem>> -> memref<80xi32, #tpu.memory_space<vmem>>
    %dma_start3A_184 = arith.constant 0 : i32
    %dma_start3A_185 = arith.constant 0 : i32
    %dma_start3A_186 = tpu.memref_slice %arg2[%dma_start3A_184, %dma_start3A_185] : memref<10000x128xf32, #tpu.memory_space<hbm>> -> memref<10000x128xf32, #tpu.memory_space<hbm>>
    tpu.enqueue_indirect_dma source(%dma_start3A_186 : memref<10000x128xf32, #tpu.memory_space<hbm>>) target(%arg8 : memref<80x128xf32, #tpu.memory_space<vmem>>) offsets(%dma_start3A_183 : memref<80xi32, #tpu.memory_space<vmem>>) semaphore(%arg12 : memref<!tpu.dma_semaphore, #tpu.memory_space<semaphore_mem>>)
    %dma_wait3A_187 = arith.constant 9840 : i32
    %dma_wait3A_188 = tpu.memref_slice %arg5[%dma_wait3A_187] : memref<10000xi32, #tpu.memory_space<vmem>> -> memref<80xi32, #tpu.memory_space<vmem>>
    %dma_wait3A_189 = arith.constant 0 : i32
    %dma_wait3A_190 = arith.constant 0 : i32
    %dma_wait3A_191 = tpu.memref_slice %arg2[%dma_wait3A_189, %dma_wait3A_190] : memref<10000x128xf32, #tpu.memory_space<hbm>> -> memref<10000x128xf32, #tpu.memory_space<hbm>>
    tpu.wait_indirect_dma semaphore(%arg11 : memref<!tpu.dma_semaphore, #tpu.memory_space<semaphore_mem>>) src(%dma_wait3A_191 : memref<10000x128xf32, #tpu.memory_space<hbm>>) dst(%arg7 : memref<80x128xf32, #tpu.memory_space<vmem>>)
    %dma_start3A_192 = arith.constant 9840 : i32
    %dma_start3A_193 = tpu.memref_slice %arg6[%dma_start3A_192] : memref<10000xi32, #tpu.memory_space<vmem>> -> memref<80xi32, #tpu.memory_space<vmem>>
    %dma_start3A_194 = arith.constant 0 : i32
    %dma_start3A_195 = arith.constant 0 : i32
    %dma_start3A_196 = tpu.memref_slice %arg10[%dma_start3A_194, %dma_start3A_195] : memref<10000x128xf32, #tpu.memory_space<vmem_shared>> -> memref<10000x128xf32, #tpu.memory_space<vmem_shared>>
    tpu.enqueue_indirect_dma source(%arg7 : memref<80x128xf32, #tpu.memory_space<vmem>>) target(%dma_start3A_196 : memref<10000x128xf32, #tpu.memory_space<vmem_shared>>) offsets(%dma_start3A_193 : memref<80xi32, #tpu.memory_space<vmem>>) semaphore(%arg14 : memref<!tpu.dma_semaphore, #tpu.memory_space<semaphore_mem>>) {add = true}
    %dma_wait3A_197 = arith.constant 9920 : i32
    %dma_wait3A_198 = tpu.memref_slice %arg5[%dma_wait3A_197] : memref<10000xi32, #tpu.memory_space<vmem>> -> memref<80xi32, #tpu.memory_space<vmem>>
    %dma_wait3A_199 = arith.constant 0 : i32
    %dma_wait3A_200 = arith.constant 0 : i32
    %dma_wait3A_201 = tpu.memref_slice %arg2[%dma_wait3A_199, %dma_wait3A_200] : memref<10000x128xf32, #tpu.memory_space<hbm>> -> memref<10000x128xf32, #tpu.memory_space<hbm>>
    tpu.wait_indirect_dma semaphore(%arg12 : memref<!tpu.dma_semaphore, #tpu.memory_space<semaphore_mem>>) src(%dma_wait3A_201 : memref<10000x128xf32, #tpu.memory_space<hbm>>) dst(%arg8 : memref<80x128xf32, #tpu.memory_space<vmem>>)
    %dma_start3A_202 = arith.constant 9920 : i32
    %dma_start3A_203 = tpu.memref_slice %arg6[%dma_start3A_202] : memref<10000xi32, #tpu.memory_space<vmem>> -> memref<80xi32, #tpu.memory_space<vmem>>
    %dma_start3A_204 = arith.constant 0 : i32
    %dma_start3A_205 = arith.constant 0 : i32
    %dma_start3A_206 = tpu.memref_slice %arg10[%dma_start3A_204, %dma_start3A_205] : memref<10000x128xf32, #tpu.memory_space<vmem_shared>> -> memref<10000x128xf32, #tpu.memory_space<vmem_shared>>
    tpu.enqueue_indirect_dma source(%arg8 : memref<80x128xf32, #tpu.memory_space<vmem>>) target(%dma_start3A_206 : memref<10000x128xf32, #tpu.memory_space<vmem_shared>>) offsets(%dma_start3A_203 : memref<80xi32, #tpu.memory_space<vmem>>) semaphore(%arg15 : memref<!tpu.dma_semaphore, #tpu.memory_space<semaphore_mem>>) {add = true}
    %dma_wait3A_207 = arith.constant 9760 : i32
    %dma_wait3A_208 = tpu.memref_slice %arg6[%dma_wait3A_207] : memref<10000xi32, #tpu.memory_space<vmem>> -> memref<80xi32, #tpu.memory_space<vmem>>
    %dma_wait3A_209 = arith.constant 0 : i32
    %dma_wait3A_210 = arith.constant 0 : i32
    %dma_wait3A_211 = tpu.memref_slice %arg10[%dma_wait3A_209, %dma_wait3A_210] : memref<10000x128xf32, #tpu.memory_space<vmem_shared>> -> memref<10000x128xf32, #tpu.memory_space<vmem_shared>>
    tpu.wait_indirect_dma semaphore(%arg16 : memref<!tpu.dma_semaphore, #tpu.memory_space<semaphore_mem>>) src(%arg9 : memref<80x128xf32, #tpu.memory_space<vmem>>) dst(%dma_wait3A_211 : memref<10000x128xf32, #tpu.memory_space<vmem_shared>>)
    %dma_wait3A_212 = arith.constant 9840 : i32
    %dma_wait3A_213 = tpu.memref_slice %arg6[%dma_wait3A_212] : memref<10000xi32, #tpu.memory_space<vmem>> -> memref<80xi32, #tpu.memory_space<vmem>>
    %dma_wait3A_214 = arith.constant 0 : i32
    %dma_wait3A_215 = arith.constant 0 : i32
    %dma_wait3A_216 = tpu.memref_slice %arg10[%dma_wait3A_214, %dma_wait3A_215] : memref<10000x128xf32, #tpu.memory_space<vmem_shared>> -> memref<10000x128xf32, #tpu.memory_space<vmem_shared>>
    tpu.wait_indirect_dma semaphore(%arg14 : memref<!tpu.dma_semaphore, #tpu.memory_space<semaphore_mem>>) src(%arg7 : memref<80x128xf32, #tpu.memory_space<vmem>>) dst(%dma_wait3A_216 : memref<10000x128xf32, #tpu.memory_space<vmem_shared>>)
    %dma_wait3A_217 = arith.constant 9920 : i32
    %dma_wait3A_218 = tpu.memref_slice %arg6[%dma_wait3A_217] : memref<10000xi32, #tpu.memory_space<vmem>> -> memref<80xi32, #tpu.memory_space<vmem>>
    %dma_wait3A_219 = arith.constant 0 : i32
    %dma_wait3A_220 = arith.constant 0 : i32
    %dma_wait3A_221 = tpu.memref_slice %arg10[%dma_wait3A_219, %dma_wait3A_220] : memref<10000x128xf32, #tpu.memory_space<vmem_shared>> -> memref<10000x128xf32, #tpu.memory_space<vmem_shared>>
    tpu.wait_indirect_dma semaphore(%arg15 : memref<!tpu.dma_semaphore, #tpu.memory_space<semaphore_mem>>) src(%arg8 : memref<80x128xf32, #tpu.memory_space<vmem>>) dst(%dma_wait3A_221 : memref<10000x128xf32, #tpu.memory_space<vmem_shared>>)
    %barrier3A_222 = arith.constant 0 : index
    tpu.barrier barrier_id(%barrier3A_222)
    %mul3A_223 = arith.constant 625 : i32
    %mul3A_224 = arith.muli %arg1, %mul3A_223 : i32
    %mul3A_225 = arith.constant 625 : i32
    %mul3A_226 = arith.muli %arg1, %mul3A_225 : i32
    "tpu.region"() ({
      %run_scoped3A = tpu.sem_alloc : memref<!tpu.dma_semaphore, #tpu.memory_space<semaphore_mem>>
      %dma_start3A_227 = arith.constant 0 : i32
      %dma_start3A_228 = tpu.memref_slice %arg4[%arg0, %mul3A_226, %dma_start3A_227] : memref<2x10000x128xf32, #tpu.memory_space<hbm>> -> memref<1x625x128xf32, #tpu.memory_space<hbm>>
      %dma_start3A_229 = tpu.memref_squeeze %dma_start3A_228 : memref<1x625x128xf32, #tpu.memory_space<hbm>> -> memref<625x128xf32, #tpu.memory_space<hbm>>
      %dma_start3A_230 = arith.constant 0 : i32
      %dma_start3A_231 = tpu.memref_slice %arg10[%mul3A_224, %dma_start3A_230] : memref<10000x128xf32, #tpu.memory_space<vmem_shared>> -> memref<625x128xf32, #tpu.memory_space<vmem_shared>>
      tpu.enqueue_dma source(%dma_start3A_231 : memref<625x128xf32, #tpu.memory_space<vmem_shared>>) target(%dma_start3A_229 : memref<625x128xf32, #tpu.memory_space<hbm>>) target_semaphore(%run_scoped3A : memref<!tpu.dma_semaphore, #tpu.memory_space<semaphore_mem>>)
      %dma_wait3A_232 = arith.constant 0 : i32
      %dma_wait3A_233 = tpu.memref_slice %arg4[%arg0, %mul3A_226, %dma_wait3A_232] : memref<2x10000x128xf32, #tpu.memory_space<hbm>> -> memref<1x625x128xf32, #tpu.memory_space<hbm>>
      %dma_wait3A_234 = tpu.memref_squeeze %dma_wait3A_233 : memref<1x625x128xf32, #tpu.memory_space<hbm>> -> memref<625x128xf32, #tpu.memory_space<hbm>>
      %dma_wait3A_235 = arith.constant 0 : i32
      %dma_wait3A_236 = tpu.memref_slice %arg10[%mul3A_224, %dma_wait3A_235] : memref<10000x128xf32, #tpu.memory_space<vmem_shared>> -> memref<625x128xf32, #tpu.memory_space<vmem_shared>>
      tpu.wait_dma2 semaphore(%run_scoped3A : memref<!tpu.dma_semaphore, #tpu.memory_space<semaphore_mem>>) src(%dma_wait3A_236 : memref<625x128xf32, #tpu.memory_space<vmem_shared>>) dst(%dma_wait3A_234 : memref<625x128xf32, #tpu.memory_space<hbm>>)
      tpu.yield
    }) : () -> ()
    return
  }
}

#map = affine_map<(d0, d1) -> (0, 0)>
#map1 = affine_map<(d0, d1) -> (0)>
#map2 = affine_map<(d0, d1) -> (0, 0, 0)>
module attributes {stable_mosaic.version = 14 : i64} {
  func.func @agg_kernel(%arg0: i32, %arg1: i32, %arg2: memref<10000x128xf32, #tpu.memory_space<hbm>>, %arg3: memref<640000xi32, #tpu.memory_space<hbm>>, %arg4: memref<2x10000x128xf32, #tpu.memory_space<hbm>>, %arg5: memref<10000xi32, #tpu.memory_space<vmem>>, %arg6: memref<10000xi32, #tpu.memory_space<vmem>>, %arg7: memref<80x128xf32, #tpu.memory_space<vmem>>, %arg8: memref<80x128xf32, #tpu.memory_space<vmem>>, %arg9: memref<80x128xf32, #tpu.memory_space<vmem>>, %arg10: memref<10000x128xf32, #tpu.memory_space<vmem_shared>>, %arg11: memref<!tpu.dma_semaphore, #tpu.memory_space<semaphore_mem>>, %arg12: memref<!tpu.dma_semaphore, #tpu.memory_space<semaphore_mem>>, %arg13: memref<!tpu.dma_semaphore, #tpu.memory_space<semaphore_mem>>, %arg14: memref<!tpu.dma_semaphore, #tpu.memory_space<semaphore_mem>>, %arg15: memref<!tpu.dma_semaphore, #tpu.memory_space<semaphore_mem>>, %arg16: memref<!tpu.dma_semaphore, #tpu.memory_space<semaphore_mem>>) attributes {dimension_semantics = [#tpu.dimension_semantics<core_parallel>, #tpu.dimension_semantics<subcore_parallel>], iteration_bounds = array<i64: 2, 16>, scalar_prefetch = 0 : i64, scratch_operands = 12 : i64, tpu.core_type = #tpu.core_type<sc_vector_subcore>, window_params = [{transform_indices = #map}, {transform_indices = #map1}, {transform_indices = #map2}]} {
    %mul3A = arith.constant 16 : i32
    %mul3A_0 = arith.muli %arg0, %mul3A : i32
    %add3A = arith.addi %mul3A_0, %arg1 : i32
    %scan3A = arith.constant 0 : i32
    %scan3A_1 = arith.constant 0 : i32
    %scan3A_2 = arith.constant 80 : i32
    %scan3A_3 = arith.addi %scan3A_1, %scan3A_2 : i32
    %scan3A_4 = arith.constant 1 : i32
    %scan3A_5 = scf.for %scan3A_227 = %scan3A_1 to %scan3A_3 step %scan3A_4 iter_args(%scan3A_228 = %scan3A) -> (i32)  : i32 {
      %broadcast_in_dim3A = arith.constant 0.000000e+00 : f32
      %broadcast_in_dim3A_229 = vector.broadcast %broadcast_in_dim3A : f32 to vector<16xf32>
      %swap3A = arith.index_cast %scan3A_227 : i32 to index
      %swap3A_230 = arith.constant 0 : index
      %swap3A_231 = tpu.vector_load %arg7[%swap3A, %swap3A_230] {strides = array<i32>} : memref<80x128xf32, #tpu.memory_space<vmem>>, vector<1x16xf32>,
      %swap3A_232 = vector.shape_cast %swap3A_231 : vector<1x16xf32> to vector<16xf32>
      %swap3A_233 = vector.shape_cast %broadcast_in_dim3A_229 : vector<16xf32> to vector<1x16xf32>
      tpu.vector_store %arg7[%swap3A, %swap3A_230], %swap3A_233 {strides = array<i32>} : memref<80x128xf32, #tpu.memory_space<vmem>>, vector<1x16xf32>,
      %broadcast_in_dim3A_234 = arith.constant 0.000000e+00 : f32
      %broadcast_in_dim3A_235 = vector.broadcast %broadcast_in_dim3A_234 : f32 to vector<16xf32>
      %swap3A_236 = arith.index_cast %scan3A_227 : i32 to index
      %swap3A_237 = arith.constant 16 : index
      %swap3A_238 = tpu.vector_load %arg7[%swap3A_236, %swap3A_237] {strides = array<i32>} : memref<80x128xf32, #tpu.memory_space<vmem>>, vector<1x16xf32>,
      %swap3A_239 = vector.shape_cast %swap3A_238 : vector<1x16xf32> to vector<16xf32>
      %swap3A_240 = vector.shape_cast %broadcast_in_dim3A_235 : vector<16xf32> to vector<1x16xf32>
      tpu.vector_store %arg7[%swap3A_236, %swap3A_237], %swap3A_240 {strides = array<i32>} : memref<80x128xf32, #tpu.memory_space<vmem>>, vector<1x16xf32>,
      %broadcast_in_dim3A_241 = arith.constant 0.000000e+00 : f32
      %broadcast_in_dim3A_242 = vector.broadcast %broadcast_in_dim3A_241 : f32 to vector<16xf32>
      %swap3A_243 = arith.index_cast %scan3A_227 : i32 to index
      %swap3A_244 = arith.constant 32 : index
      %swap3A_245 = tpu.vector_load %arg7[%swap3A_243, %swap3A_244] {strides = array<i32>} : memref<80x128xf32, #tpu.memory_space<vmem>>, vector<1x16xf32>,
      %swap3A_246 = vector.shape_cast %swap3A_245 : vector<1x16xf32> to vector<16xf32>
      %swap3A_247 = vector.shape_cast %broadcast_in_dim3A_242 : vector<16xf32> to vector<1x16xf32>
      tpu.vector_store %arg7[%swap3A_243, %swap3A_244], %swap3A_247 {strides = array<i32>} : memref<80x128xf32, #tpu.memory_space<vmem>>, vector<1x16xf32>,
      %broadcast_in_dim3A_248 = arith.constant 0.000000e+00 : f32
      %broadcast_in_dim3A_249 = vector.broadcast %broadcast_in_dim3A_248 : f32 to vector<16xf32>
      %swap3A_250 = arith.index_cast %scan3A_227 : i32 to index
      %swap3A_251 = arith.constant 48 : index
      %swap3A_252 = tpu.vector_load %arg7[%swap3A_250, %swap3A_251] {strides = array<i32>} : memref<80x128xf32, #tpu.memory_space<vmem>>, vector<1x16xf32>,
      %swap3A_253 = vector.shape_cast %swap3A_252 : vector<1x16xf32> to vector<16xf32>
      %swap3A_254 = vector.shape_cast %broadcast_in_dim3A_249 : vector<16xf32> to vector<1x16xf32>
      tpu.vector_store %arg7[%swap3A_250, %swap3A_251], %swap3A_254 {strides = array<i32>} : memref<80x128xf32, #tpu.memory_space<vmem>>, vector<1x16xf32>,
      %broadcast_in_dim3A_255 = arith.constant 0.000000e+00 : f32
      %broadcast_in_dim3A_256 = vector.broadcast %broadcast_in_dim3A_255 : f32 to vector<16xf32>
      %swap3A_257 = arith.index_cast %scan3A_227 : i32 to index
      %swap3A_258 = arith.constant 64 : index
      %swap3A_259 = tpu.vector_load %arg7[%swap3A_257, %swap3A_258] {strides = array<i32>} : memref<80x128xf32, #tpu.memory_space<vmem>>, vector<1x16xf32>,
      %swap3A_260 = vector.shape_cast %swap3A_259 : vector<1x16xf32> to vector<16xf32>
      %swap3A_261 = vector.shape_cast %broadcast_in_dim3A_256 : vector<16xf32> to vector<1x16xf32>
      tpu.vector_store %arg7[%swap3A_257, %swap3A_258], %swap3A_261 {strides = array<i32>} : memref<80x128xf32, #tpu.memory_space<vmem>>, vector<1x16xf32>,
      %broadcast_in_dim3A_262 = arith.constant 0.000000e+00 : f32
      %broadcast_in_dim3A_263 = vector.broadcast %broadcast_in_dim3A_262 : f32 to vector<16xf32>
      %swap3A_264 = arith.index_cast %scan3A_227 : i32 to index
      %swap3A_265 = arith.constant 80 : index
      %swap3A_266 = tpu.vector_load %arg7[%swap3A_264, %swap3A_265] {strides = array<i32>} : memref<80x128xf32, #tpu.memory_space<vmem>>, vector<1x16xf32>,
      %swap3A_267 = vector.shape_cast %swap3A_266 : vector<1x16xf32> to vector<16xf32>
      %swap3A_268 = vector.shape_cast %broadcast_in_dim3A_263 : vector<16xf32> to vector<1x16xf32>
      tpu.vector_store %arg7[%swap3A_264, %swap3A_265], %swap3A_268 {strides = array<i32>} : memref<80x128xf32, #tpu.memory_space<vmem>>, vector<1x16xf32>,
      %broadcast_in_dim3A_269 = arith.constant 0.000000e+00 : f32
      %broadcast_in_dim3A_270 = vector.broadcast %broadcast_in_dim3A_269 : f32 to vector<16xf32>
      %swap3A_271 = arith.index_cast %scan3A_227 : i32 to index
      %swap3A_272 = arith.constant 96 : index
      %swap3A_273 = tpu.vector_load %arg7[%swap3A_271, %swap3A_272] {strides = array<i32>} : memref<80x128xf32, #tpu.memory_space<vmem>>, vector<1x16xf32>,
      %swap3A_274 = vector.shape_cast %swap3A_273 : vector<1x16xf32> to vector<16xf32>
      %swap3A_275 = vector.shape_cast %broadcast_in_dim3A_270 : vector<16xf32> to vector<1x16xf32>
      tpu.vector_store %arg7[%swap3A_271, %swap3A_272], %swap3A_275 {strides = array<i32>} : memref<80x128xf32, #tpu.memory_space<vmem>>, vector<1x16xf32>,
      %broadcast_in_dim3A_276 = arith.constant 0.000000e+00 : f32
      %broadcast_in_dim3A_277 = vector.broadcast %broadcast_in_dim3A_276 : f32 to vector<16xf32>
      %swap3A_278 = arith.index_cast %scan3A_227 : i32 to index
      %swap3A_279 = arith.constant 112 : index
      %swap3A_280 = tpu.vector_load %arg7[%swap3A_278, %swap3A_279] {strides = array<i32>} : memref<80x128xf32, #tpu.memory_space<vmem>>, vector<1x16xf32>,
      %swap3A_281 = vector.shape_cast %swap3A_280 : vector<1x16xf32> to vector<16xf32>
      %swap3A_282 = vector.shape_cast %broadcast_in_dim3A_277 : vector<16xf32> to vector<1x16xf32>
      tpu.vector_store %arg7[%swap3A_278, %swap3A_279], %swap3A_282 {strides = array<i32>} : memref<80x128xf32, #tpu.memory_space<vmem>>, vector<1x16xf32>,
      %scan3A_283 = arith.constant 0 : i32
      scf.yield %scan3A_283 : i32
    }
    %scan3A_6 = arith.constant 80 : i32
    %mul3A_7 = arith.constant 625 : i32
    %mul3A_8 = arith.muli %arg1, %mul3A_7 : i32
    %add3A_9 = arith.constant 0 : i32
    %add3A_10 = arith.addi %mul3A_8, %add3A_9 : i32
    %dma_start3A = arith.constant 0 : i32
    %dma_start3A_11 = tpu.memref_slice %arg10[%add3A_10, %dma_start3A] : memref<10000x128xf32, #tpu.memory_space<vmem_shared>> -> memref<80x128xf32, #tpu.memory_space<vmem_shared>>
    %dma_start3A_12 = arith.constant 0 : i32
    %dma_start3A_13 = tpu.memref_slice %arg10[%add3A_10, %dma_start3A_12] : memref<10000x128xf32, #tpu.memory_space<vmem_shared>> -> memref<80x128xf32, #tpu.memory_space<vmem_shared>>
    tpu.enqueue_dma source(%arg7 : memref<80x128xf32, #tpu.memory_space<vmem>>) target(%dma_start3A_13 : memref<80x128xf32, #tpu.memory_space<vmem_shared>>) target_semaphore(%arg14 : memref<!tpu.dma_semaphore, #tpu.memory_space<semaphore_mem>>)
    %mul3A_14 = arith.constant 625 : i32
    %mul3A_15 = arith.muli %arg1, %mul3A_14 : i32
    %add3A_16 = arith.constant 80 : i32
    %add3A_17 = arith.addi %mul3A_15, %add3A_16 : i32
    %dma_start3A_18 = arith.constant 0 : i32
    %dma_start3A_19 = tpu.memref_slice %arg10[%add3A_17, %dma_start3A_18] : memref<10000x128xf32, #tpu.memory_space<vmem_shared>> -> memref<80x128xf32, #tpu.memory_space<vmem_shared>>
    %dma_start3A_20 = arith.constant 0 : i32
    %dma_start3A_21 = tpu.memref_slice %arg10[%add3A_17, %dma_start3A_20] : memref<10000x128xf32, #tpu.memory_space<vmem_shared>> -> memref<80x128xf32, #tpu.memory_space<vmem_shared>>
    tpu.enqueue_dma source(%arg7 : memref<80x128xf32, #tpu.memory_space<vmem>>) target(%dma_start3A_21 : memref<80x128xf32, #tpu.memory_space<vmem_shared>>) target_semaphore(%arg14 : memref<!tpu.dma_semaphore, #tpu.memory_space<semaphore_mem>>)
    %mul3A_22 = arith.constant 625 : i32
    %mul3A_23 = arith.muli %arg1, %mul3A_22 : i32
    %add3A_24 = arith.constant 160 : i32
    %add3A_25 = arith.addi %mul3A_23, %add3A_24 : i32
    %dma_start3A_26 = arith.constant 0 : i32
    %dma_start3A_27 = tpu.memref_slice %arg10[%add3A_25, %dma_start3A_26] : memref<10000x128xf32, #tpu.memory_space<vmem_shared>> -> memref<80x128xf32, #tpu.memory_space<vmem_shared>>
    %dma_start3A_28 = arith.constant 0 : i32
    %dma_start3A_29 = tpu.memref_slice %arg10[%add3A_25, %dma_start3A_28] : memref<10000x128xf32, #tpu.memory_space<vmem_shared>> -> memref<80x128xf32, #tpu.memory_space<vmem_shared>>
    tpu.enqueue_dma source(%arg7 : memref<80x128xf32, #tpu.memory_space<vmem>>) target(%dma_start3A_29 : memref<80x128xf32, #tpu.memory_space<vmem_shared>>) target_semaphore(%arg14 : memref<!tpu.dma_semaphore, #tpu.memory_space<semaphore_mem>>)
    %mul3A_30 = arith.constant 625 : i32
    %mul3A_31 = arith.muli %arg1, %mul3A_30 : i32
    %add3A_32 = arith.constant 240 : i32
    %add3A_33 = arith.addi %mul3A_31, %add3A_32 : i32
    %dma_start3A_34 = arith.constant 0 : i32
    %dma_start3A_35 = tpu.memref_slice %arg10[%add3A_33, %dma_start3A_34] : memref<10000x128xf32, #tpu.memory_space<vmem_shared>> -> memref<80x128xf32, #tpu.memory_space<vmem_shared>>
    %dma_start3A_36 = arith.constant 0 : i32
    %dma_start3A_37 = tpu.memref_slice %arg10[%add3A_33, %dma_start3A_36] : memref<10000x128xf32, #tpu.memory_space<vmem_shared>> -> memref<80x128xf32, #tpu.memory_space<vmem_shared>>
    tpu.enqueue_dma source(%arg7 : memref<80x128xf32, #tpu.memory_space<vmem>>) target(%dma_start3A_37 : memref<80x128xf32, #tpu.memory_space<vmem_shared>>) target_semaphore(%arg14 : memref<!tpu.dma_semaphore, #tpu.memory_space<semaphore_mem>>)
    %mul3A_38 = arith.constant 625 : i32
    %mul3A_39 = arith.muli %arg1, %mul3A_38 : i32
    %add3A_40 = arith.constant 320 : i32
    %add3A_41 = arith.addi %mul3A_39, %add3A_40 : i32
    %dma_start3A_42 = arith.constant 0 : i32
    %dma_start3A_43 = tpu.memref_slice %arg10[%add3A_41, %dma_start3A_42] : memref<10000x128xf32, #tpu.memory_space<vmem_shared>> -> memref<80x128xf32, #tpu.memory_space<vmem_shared>>
    %dma_start3A_44 = arith.constant 0 : i32
    %dma_start3A_45 = tpu.memref_slice %arg10[%add3A_41, %dma_start3A_44] : memref<10000x128xf32, #tpu.memory_space<vmem_shared>> -> memref<80x128xf32, #tpu.memory_space<vmem_shared>>
    tpu.enqueue_dma source(%arg7 : memref<80x128xf32, #tpu.memory_space<vmem>>) target(%dma_start3A_45 : memref<80x128xf32, #tpu.memory_space<vmem_shared>>) target_semaphore(%arg14 : memref<!tpu.dma_semaphore, #tpu.memory_space<semaphore_mem>>)
    %mul3A_46 = arith.constant 625 : i32
    %mul3A_47 = arith.muli %arg1, %mul3A_46 : i32
    %add3A_48 = arith.constant 400 : i32
    %add3A_49 = arith.addi %mul3A_47, %add3A_48 : i32
    %dma_start3A_50 = arith.constant 0 : i32
    %dma_start3A_51 = tpu.memref_slice %arg10[%add3A_49, %dma_start3A_50] : memref<10000x128xf32, #tpu.memory_space<vmem_shared>> -> memref<80x128xf32, #tpu.memory_space<vmem_shared>>
    %dma_start3A_52 = arith.constant 0 : i32
    %dma_start3A_53 = tpu.memref_slice %arg10[%add3A_49, %dma_start3A_52] : memref<10000x128xf32, #tpu.memory_space<vmem_shared>> -> memref<80x128xf32, #tpu.memory_space<vmem_shared>>
    tpu.enqueue_dma source(%arg7 : memref<80x128xf32, #tpu.memory_space<vmem>>) target(%dma_start3A_53 : memref<80x128xf32, #tpu.memory_space<vmem_shared>>) target_semaphore(%arg14 : memref<!tpu.dma_semaphore, #tpu.memory_space<semaphore_mem>>)
    %mul3A_54 = arith.constant 625 : i32
    %mul3A_55 = arith.muli %arg1, %mul3A_54 : i32
    %add3A_56 = arith.constant 480 : i32
    %add3A_57 = arith.addi %mul3A_55, %add3A_56 : i32
    %dma_start3A_58 = arith.constant 0 : i32
    %dma_start3A_59 = tpu.memref_slice %arg10[%add3A_57, %dma_start3A_58] : memref<10000x128xf32, #tpu.memory_space<vmem_shared>> -> memref<80x128xf32, #tpu.memory_space<vmem_shared>>
    %dma_start3A_60 = arith.constant 0 : i32
    %dma_start3A_61 = tpu.memref_slice %arg10[%add3A_57, %dma_start3A_60] : memref<10000x128xf32, #tpu.memory_space<vmem_shared>> -> memref<80x128xf32, #tpu.memory_space<vmem_shared>>
    tpu.enqueue_dma source(%arg7 : memref<80x128xf32, #tpu.memory_space<vmem>>) target(%dma_start3A_61 : memref<80x128xf32, #tpu.memory_space<vmem_shared>>) target_semaphore(%arg14 : memref<!tpu.dma_semaphore, #tpu.memory_space<semaphore_mem>>)
    %mul3A_62 = arith.constant 625 : i32
    %mul3A_63 = arith.muli %arg1, %mul3A_62 : i32
    %add3A_64 = arith.constant 560 : i32
    %add3A_65 = arith.addi %mul3A_63, %add3A_64 : i32
    %dma_start3A_66 = arith.constant 0 : i32
    %dma_start3A_67 = arith.constant 0 : i32
    %dma_start3A_68 = tpu.memref_slice %arg7[%dma_start3A_66, %dma_start3A_67] : memref<80x128xf32, #tpu.memory_space<vmem>> -> memref<65x128xf32, #tpu.memory_space<vmem>>
    %dma_start3A_69 = arith.constant 0 : i32
    %dma_start3A_70 = tpu.memref_slice %arg10[%add3A_65, %dma_start3A_69] : memref<10000x128xf32, #tpu.memory_space<vmem_shared>> -> memref<65x128xf32, #tpu.memory_space<vmem_shared>>
    %dma_start3A_71 = arith.constant 0 : i32
    %dma_start3A_72 = tpu.memref_slice %arg10[%add3A_65, %dma_start3A_71] : memref<10000x128xf32, #tpu.memory_space<vmem_shared>> -> memref<65x128xf32, #tpu.memory_space<vmem_shared>>
    %dma_start3A_73 = arith.constant 0 : i32
    %dma_start3A_74 = arith.constant 0 : i32
    %dma_start3A_75 = tpu.memref_slice %arg7[%dma_start3A_73, %dma_start3A_74] : memref<80x128xf32, #tpu.memory_space<vmem>> -> memref<65x128xf32, #tpu.memory_space<vmem>>
    tpu.enqueue_dma source(%dma_start3A_75 : memref<65x128xf32, #tpu.memory_space<vmem>>) target(%dma_start3A_72 : memref<65x128xf32, #tpu.memory_space<vmem_shared>>) target_semaphore(%arg15 : memref<!tpu.dma_semaphore, #tpu.memory_space<semaphore_mem>>)
    %mul3A_76 = arith.constant 10000 : i32
    %mul3A_77 = arith.muli %add3A, %mul3A_76 : i32
    %dma_start3A_78 = tpu.memref_slice %arg3[%mul3A_77] : memref<640000xi32, #tpu.memory_space<hbm>> -> memref<10000xi32, #tpu.memory_space<hbm>>
    %dma_start3A_79 = tpu.memref_slice %arg3[%mul3A_77] : memref<640000xi32, #tpu.memory_space<hbm>> -> memref<10000xi32, #tpu.memory_space<hbm>>
    tpu.enqueue_dma source(%dma_start3A_79 : memref<10000xi32, #tpu.memory_space<hbm>>) target(%arg5 : memref<10000xi32, #tpu.memory_space<vmem>>) target_semaphore(%arg11 : memref<!tpu.dma_semaphore, #tpu.memory_space<semaphore_mem>>)
    %mul3A_80 = arith.constant 10000 : i32
    %mul3A_81 = arith.muli %add3A, %mul3A_80 : i32
    %add3A_82 = arith.constant 320000 : i32
    %add3A_83 = arith.addi %add3A_82, %mul3A_81 : i32
    %dma_start3A_84 = tpu.memref_slice %arg3[%add3A_83] : memref<640000xi32, #tpu.memory_space<hbm>> -> memref<10000xi32, #tpu.memory_space<hbm>>
    %dma_start3A_85 = tpu.memref_slice %arg3[%add3A_83] : memref<640000xi32, #tpu.memory_space<hbm>> -> memref<10000xi32, #tpu.memory_space<hbm>>
    tpu.enqueue_dma source(%dma_start3A_85 : memref<10000xi32, #tpu.memory_space<hbm>>) target(%arg6 : memref<10000xi32, #tpu.memory_space<vmem>>) target_semaphore(%arg12 : memref<!tpu.dma_semaphore, #tpu.memory_space<semaphore_mem>>)
    %mul3A_86 = arith.constant 625 : i32
    %mul3A_87 = arith.muli %arg1, %mul3A_86 : i32
    %add3A_88 = arith.constant 0 : i32
    %add3A_89 = arith.addi %mul3A_87, %add3A_88 : i32
    %dma_wait3A = arith.constant 0 : i32
    %dma_wait3A_90 = tpu.memref_slice %arg10[%add3A_89, %dma_wait3A] : memref<10000x128xf32, #tpu.memory_space<vmem_shared>> -> memref<80x128xf32, #tpu.memory_space<vmem_shared>>
    %dma_wait3A_91 = arith.constant 0 : i32
    %dma_wait3A_92 = tpu.memref_slice %arg10[%add3A_89, %dma_wait3A_91] : memref<10000x128xf32, #tpu.memory_space<vmem_shared>> -> memref<80x128xf32, #tpu.memory_space<vmem_shared>>
    tpu.wait_dma2 semaphore(%arg14 : memref<!tpu.dma_semaphore, #tpu.memory_space<semaphore_mem>>) src(%arg7 : memref<80x128xf32, #tpu.memory_space<vmem>>) dst(%dma_wait3A_92 : memref<80x128xf32, #tpu.memory_space<vmem_shared>>)
    %mul3A_93 = arith.constant 625 : i32
    %mul3A_94 = arith.muli %arg1, %mul3A_93 : i32
    %add3A_95 = arith.constant 80 : i32
    %add3A_96 = arith.addi %mul3A_94, %add3A_95 : i32
    %dma_wait3A_97 = arith.constant 0 : i32
    %dma_wait3A_98 = tpu.memref_slice %arg10[%add3A_96, %dma_wait3A_97] : memref<10000x128xf32, #tpu.memory_space<vmem_shared>> -> memref<80x128xf32, #tpu.memory_space<vmem_shared>>
    %dma_wait3A_99 = arith.constant 0 : i32
    %dma_wait3A_100 = tpu.memref_slice %arg10[%add3A_96, %dma_wait3A_99] : memref<10000x128xf32, #tpu.memory_space<vmem_shared>> -> memref<80x128xf32, #tpu.memory_space<vmem_shared>>
    tpu.wait_dma2 semaphore(%arg14 : memref<!tpu.dma_semaphore, #tpu.memory_space<semaphore_mem>>) src(%arg7 : memref<80x128xf32, #tpu.memory_space<vmem>>) dst(%dma_wait3A_100 : memref<80x128xf32, #tpu.memory_space<vmem_shared>>)
    %mul3A_101 = arith.constant 625 : i32
    %mul3A_102 = arith.muli %arg1, %mul3A_101 : i32
    %add3A_103 = arith.constant 160 : i32
    %add3A_104 = arith.addi %mul3A_102, %add3A_103 : i32
    %dma_wait3A_105 = arith.constant 0 : i32
    %dma_wait3A_106 = tpu.memref_slice %arg10[%add3A_104, %dma_wait3A_105] : memref<10000x128xf32, #tpu.memory_space<vmem_shared>> -> memref<80x128xf32, #tpu.memory_space<vmem_shared>>
    %dma_wait3A_107 = arith.constant 0 : i32
    %dma_wait3A_108 = tpu.memref_slice %arg10[%add3A_104, %dma_wait3A_107] : memref<10000x128xf32, #tpu.memory_space<vmem_shared>> -> memref<80x128xf32, #tpu.memory_space<vmem_shared>>
    tpu.wait_dma2 semaphore(%arg14 : memref<!tpu.dma_semaphore, #tpu.memory_space<semaphore_mem>>) src(%arg7 : memref<80x128xf32, #tpu.memory_space<vmem>>) dst(%dma_wait3A_108 : memref<80x128xf32, #tpu.memory_space<vmem_shared>>)
    %mul3A_109 = arith.constant 625 : i32
    %mul3A_110 = arith.muli %arg1, %mul3A_109 : i32
    %add3A_111 = arith.constant 240 : i32
    %add3A_112 = arith.addi %mul3A_110, %add3A_111 : i32
    %dma_wait3A_113 = arith.constant 0 : i32
    %dma_wait3A_114 = tpu.memref_slice %arg10[%add3A_112, %dma_wait3A_113] : memref<10000x128xf32, #tpu.memory_space<vmem_shared>> -> memref<80x128xf32, #tpu.memory_space<vmem_shared>>
    %dma_wait3A_115 = arith.constant 0 : i32
    %dma_wait3A_116 = tpu.memref_slice %arg10[%add3A_112, %dma_wait3A_115] : memref<10000x128xf32, #tpu.memory_space<vmem_shared>> -> memref<80x128xf32, #tpu.memory_space<vmem_shared>>
    tpu.wait_dma2 semaphore(%arg14 : memref<!tpu.dma_semaphore, #tpu.memory_space<semaphore_mem>>) src(%arg7 : memref<80x128xf32, #tpu.memory_space<vmem>>) dst(%dma_wait3A_116 : memref<80x128xf32, #tpu.memory_space<vmem_shared>>)
    %mul3A_117 = arith.constant 625 : i32
    %mul3A_118 = arith.muli %arg1, %mul3A_117 : i32
    %add3A_119 = arith.constant 320 : i32
    %add3A_120 = arith.addi %mul3A_118, %add3A_119 : i32
    %dma_wait3A_121 = arith.constant 0 : i32
    %dma_wait3A_122 = tpu.memref_slice %arg10[%add3A_120, %dma_wait3A_121] : memref<10000x128xf32, #tpu.memory_space<vmem_shared>> -> memref<80x128xf32, #tpu.memory_space<vmem_shared>>
    %dma_wait3A_123 = arith.constant 0 : i32
    %dma_wait3A_124 = tpu.memref_slice %arg10[%add3A_120, %dma_wait3A_123] : memref<10000x128xf32, #tpu.memory_space<vmem_shared>> -> memref<80x128xf32, #tpu.memory_space<vmem_shared>>
    tpu.wait_dma2 semaphore(%arg14 : memref<!tpu.dma_semaphore, #tpu.memory_space<semaphore_mem>>) src(%arg7 : memref<80x128xf32, #tpu.memory_space<vmem>>) dst(%dma_wait3A_124 : memref<80x128xf32, #tpu.memory_space<vmem_shared>>)
    %mul3A_125 = arith.constant 625 : i32
    %mul3A_126 = arith.muli %arg1, %mul3A_125 : i32
    %add3A_127 = arith.constant 400 : i32
    %add3A_128 = arith.addi %mul3A_126, %add3A_127 : i32
    %dma_wait3A_129 = arith.constant 0 : i32
    %dma_wait3A_130 = tpu.memref_slice %arg10[%add3A_128, %dma_wait3A_129] : memref<10000x128xf32, #tpu.memory_space<vmem_shared>> -> memref<80x128xf32, #tpu.memory_space<vmem_shared>>
    %dma_wait3A_131 = arith.constant 0 : i32
    %dma_wait3A_132 = tpu.memref_slice %arg10[%add3A_128, %dma_wait3A_131] : memref<10000x128xf32, #tpu.memory_space<vmem_shared>> -> memref<80x128xf32, #tpu.memory_space<vmem_shared>>
    tpu.wait_dma2 semaphore(%arg14 : memref<!tpu.dma_semaphore, #tpu.memory_space<semaphore_mem>>) src(%arg7 : memref<80x128xf32, #tpu.memory_space<vmem>>) dst(%dma_wait3A_132 : memref<80x128xf32, #tpu.memory_space<vmem_shared>>)
    %mul3A_133 = arith.constant 625 : i32
    %mul3A_134 = arith.muli %arg1, %mul3A_133 : i32
    %add3A_135 = arith.constant 480 : i32
    %add3A_136 = arith.addi %mul3A_134, %add3A_135 : i32
    %dma_wait3A_137 = arith.constant 0 : i32
    %dma_wait3A_138 = tpu.memref_slice %arg10[%add3A_136, %dma_wait3A_137] : memref<10000x128xf32, #tpu.memory_space<vmem_shared>> -> memref<80x128xf32, #tpu.memory_space<vmem_shared>>
    %dma_wait3A_139 = arith.constant 0 : i32
    %dma_wait3A_140 = tpu.memref_slice %arg10[%add3A_136, %dma_wait3A_139] : memref<10000x128xf32, #tpu.memory_space<vmem_shared>> -> memref<80x128xf32, #tpu.memory_space<vmem_shared>>
    tpu.wait_dma2 semaphore(%arg14 : memref<!tpu.dma_semaphore, #tpu.memory_space<semaphore_mem>>) src(%arg7 : memref<80x128xf32, #tpu.memory_space<vmem>>) dst(%dma_wait3A_140 : memref<80x128xf32, #tpu.memory_space<vmem_shared>>)
    %mul3A_141 = arith.constant 625 : i32
    %mul3A_142 = arith.muli %arg1, %mul3A_141 : i32
    %add3A_143 = arith.constant 560 : i32
    %add3A_144 = arith.addi %mul3A_142, %add3A_143 : i32
    %dma_wait3A_145 = arith.constant 0 : i32
    %dma_wait3A_146 = arith.constant 0 : i32
    %dma_wait3A_147 = tpu.memref_slice %arg7[%dma_wait3A_145, %dma_wait3A_146] : memref<80x128xf32, #tpu.memory_space<vmem>> -> memref<65x128xf32, #tpu.memory_space<vmem>>
    %dma_wait3A_148 = arith.constant 0 : i32
    %dma_wait3A_149 = tpu.memref_slice %arg10[%add3A_144, %dma_wait3A_148] : memref<10000x128xf32, #tpu.memory_space<vmem_shared>> -> memref<65x128xf32, #tpu.memory_space<vmem_shared>>
    %dma_wait3A_150 = arith.constant 0 : i32
    %dma_wait3A_151 = tpu.memref_slice %arg10[%add3A_144, %dma_wait3A_150] : memref<10000x128xf32, #tpu.memory_space<vmem_shared>> -> memref<65x128xf32, #tpu.memory_space<vmem_shared>>
    %dma_wait3A_152 = arith.constant 0 : i32
    %dma_wait3A_153 = arith.constant 0 : i32
    %dma_wait3A_154 = tpu.memref_slice %arg7[%dma_wait3A_152, %dma_wait3A_153] : memref<80x128xf32, #tpu.memory_space<vmem>> -> memref<65x128xf32, #tpu.memory_space<vmem>>
    tpu.wait_dma2 semaphore(%arg15 : memref<!tpu.dma_semaphore, #tpu.memory_space<semaphore_mem>>) src(%dma_wait3A_154 : memref<65x128xf32, #tpu.memory_space<vmem>>) dst(%dma_wait3A_151 : memref<65x128xf32, #tpu.memory_space<vmem_shared>>)
    %mul3A_155 = arith.constant 10000 : i32
    %mul3A_156 = arith.muli %add3A, %mul3A_155 : i32
    %dma_wait3A_157 = tpu.memref_slice %arg3[%mul3A_156] : memref<640000xi32, #tpu.memory_space<hbm>> -> memref<10000xi32, #tpu.memory_space<hbm>>
    %dma_wait3A_158 = tpu.memref_slice %arg3[%mul3A_156] : memref<640000xi32, #tpu.memory_space<hbm>> -> memref<10000xi32, #tpu.memory_space<hbm>>
    tpu.wait_dma2 semaphore(%arg11 : memref<!tpu.dma_semaphore, #tpu.memory_space<semaphore_mem>>) src(%dma_wait3A_158 : memref<10000xi32, #tpu.memory_space<hbm>>) dst(%arg5 : memref<10000xi32, #tpu.memory_space<vmem>>)
    %mul3A_159 = arith.constant 10000 : i32
    %mul3A_160 = arith.muli %add3A, %mul3A_159 : i32
    %add3A_161 = arith.constant 320000 : i32
    %add3A_162 = arith.addi %add3A_161, %mul3A_160 : i32
    %dma_wait3A_163 = tpu.memref_slice %arg3[%add3A_162] : memref<640000xi32, #tpu.memory_space<hbm>> -> memref<10000xi32, #tpu.memory_space<hbm>>
    %dma_wait3A_164 = tpu.memref_slice %arg3[%add3A_162] : memref<640000xi32, #tpu.memory_space<hbm>> -> memref<10000xi32, #tpu.memory_space<hbm>>
    tpu.wait_dma2 semaphore(%arg12 : memref<!tpu.dma_semaphore, #tpu.memory_space<semaphore_mem>>) src(%dma_wait3A_164 : memref<10000xi32, #tpu.memory_space<hbm>>) dst(%arg6 : memref<10000xi32, #tpu.memory_space<vmem>>)
    %barrier3A = arith.constant 0 : index
    tpu.barrier barrier_id(%barrier3A)
    %dma_start3A_165 = arith.constant 0 : i32
    %dma_start3A_166 = tpu.memref_slice %arg5[%dma_start3A_165] : memref<10000xi32, #tpu.memory_space<vmem>> -> memref<80xi32, #tpu.memory_space<vmem>>
    %dma_start3A_167 = arith.constant 0 : i32
    %dma_start3A_168 = arith.constant 0 : i32
    %dma_start3A_169 = tpu.memref_slice %arg2[%dma_start3A_167, %dma_start3A_168] : memref<10000x128xf32, #tpu.memory_space<hbm>> -> memref<10000x128xf32, #tpu.memory_space<hbm>>
    tpu.enqueue_indirect_dma source(%dma_start3A_169 : memref<10000x128xf32, #tpu.memory_space<hbm>>) target(%arg7 : memref<80x128xf32, #tpu.memory_space<vmem>>) offsets(%dma_start3A_166 : memref<80xi32, #tpu.memory_space<vmem>>) semaphore(%arg11 : memref<!tpu.dma_semaphore, #tpu.memory_space<semaphore_mem>>)
    %scan3A_170 = arith.constant 0 : i32
    %scan3A_171 = arith.constant 0 : i32
    %scan3A_172 = arith.constant 41 : i32
    %scan3A_173 = arith.addi %scan3A_171, %scan3A_172 : i32
    %scan3A_174 = arith.constant 1 : i32
    %scan3A_175 = scf.for %scan3A_227 = %scan3A_171 to %scan3A_173 step %scan3A_174 iter_args(%scan3A_228 = %scan3A_170) -> (i32)  : i32 {
      %mul3A_229 = arith.constant 3 : i32
      %mul3A_230 = arith.muli %mul3A_229, %scan3A_227 : i32
      %add3A_231 = arith.constant 1 : i32
      %add3A_232 = arith.addi %mul3A_230, %add3A_231 : i32
      %lt3A = arith.constant 125 : i32
      %lt3A_233 = arith.cmpi slt, %add3A_232, %lt3A : i32
      %convert_element_type3A = arith.extui %lt3A_233 : i1 to i32
      %cond3A = arith.constant 0 : i32
      %cond3A_234 = arith.cmpi ne, %convert_element_type3A, %cond3A : i32
      scf.if %cond3A_234 {
        %add3A_294 = arith.constant 1 : i32
        %add3A_295 = arith.addi %mul3A_230, %add3A_294 : i32
        %ge3A = arith.constant 3 : i32
        %ge3A_296 = arith.cmpi sge, %add3A_295, %ge3A : i32
        %convert_element_type3A_297 = arith.extui %ge3A_296 : i1 to i32
        %cond3A_298 = arith.constant 0 : i32
        %cond3A_299 = arith.cmpi ne, %convert_element_type3A_297, %cond3A_298 : i32
        scf.if %cond3A_299 {
          %sub3A = arith.constant 2 : i32
          %sub3A_308 = arith.subi %mul3A_230, %sub3A : i32
          %mul3A_309 = arith.constant 80 : i32
          %mul3A_310 = arith.muli %sub3A_308, %mul3A_309 : i32
          %dma_wait3A_311 = tpu.memref_slice %arg6[%mul3A_310] : memref<10000xi32, #tpu.memory_space<vmem>> -> memref<80xi32, #tpu.memory_space<vmem>>
          %dma_wait3A_312 = arith.constant 0 : i32
          %dma_wait3A_313 = arith.constant 0 : i32
          %dma_wait3A_314 = tpu.memref_slice %arg10[%dma_wait3A_312, %dma_wait3A_313] : memref<10000x128xf32, #tpu.memory_space<vmem_shared>> -> memref<10000x128xf32, #tpu.memory_space<vmem_shared>>
          tpu.wait_indirect_dma semaphore(%arg15 : memref<!tpu.dma_semaphore, #tpu.memory_space<semaphore_mem>>) src(%arg8 : memref<80x128xf32, #tpu.memory_space<vmem>>) dst(%dma_wait3A_314 : memref<10000x128xf32, #tpu.memory_space<vmem_shared>>)
        } else {
        }
        %add3A_300 = arith.constant 1 : i32
        %add3A_301 = arith.addi %mul3A_230, %add3A_300 : i32
        %mul3A_302 = arith.constant 80 : i32
        %mul3A_303 = arith.muli %add3A_301, %mul3A_302 : i32
        %dma_start3A_304 = tpu.memref_slice %arg5[%mul3A_303] : memref<10000xi32, #tpu.memory_space<vmem>> -> memref<80xi32, #tpu.memory_space<vmem>>
        %dma_start3A_305 = arith.constant 0 : i32
        %dma_start3A_306 = arith.constant 0 : i32
        %dma_start3A_307 = tpu.memref_slice %arg2[%dma_start3A_305, %dma_start3A_306] : memref<10000x128xf32, #tpu.memory_space<hbm>> -> memref<10000x128xf32, #tpu.memory_space<hbm>>
        tpu.enqueue_indirect_dma source(%dma_start3A_307 : memref<10000x128xf32, #tpu.memory_space<hbm>>) target(%arg8 : memref<80x128xf32, #tpu.memory_space<vmem>>) offsets(%dma_start3A_304 : memref<80xi32, #tpu.memory_space<vmem>>) semaphore(%arg12 : memref<!tpu.dma_semaphore, #tpu.memory_space<semaphore_mem>>)
      } else {
      }
      %mul3A_235 = arith.constant 80 : i32
      %mul3A_236 = arith.muli %mul3A_230, %mul3A_235 : i32
      %dma_wait3A_237 = tpu.memref_slice %arg5[%mul3A_236] : memref<10000xi32, #tpu.memory_space<vmem>> -> memref<80xi32, #tpu.memory_space<vmem>>
      %dma_wait3A_238 = arith.constant 0 : i32
      %dma_wait3A_239 = arith.constant 0 : i32
      %dma_wait3A_240 = tpu.memref_slice %arg2[%dma_wait3A_238, %dma_wait3A_239] : memref<10000x128xf32, #tpu.memory_space<hbm>> -> memref<10000x128xf32, #tpu.memory_space<hbm>>
      tpu.wait_indirect_dma semaphore(%arg11 : memref<!tpu.dma_semaphore, #tpu.memory_space<semaphore_mem>>) src(%dma_wait3A_240 : memref<10000x128xf32, #tpu.memory_space<hbm>>) dst(%arg7 : memref<80x128xf32, #tpu.memory_space<vmem>>)
      %mul3A_241 = arith.constant 80 : i32
      %mul3A_242 = arith.muli %mul3A_230, %mul3A_241 : i32
      %dma_start3A_243 = tpu.memref_slice %arg6[%mul3A_242] : memref<10000xi32, #tpu.memory_space<vmem>> -> memref<80xi32, #tpu.memory_space<vmem>>
      %dma_start3A_244 = arith.constant 0 : i32
      %dma_start3A_245 = arith.constant 0 : i32
      %dma_start3A_246 = tpu.memref_slice %arg10[%dma_start3A_244, %dma_start3A_245] : memref<10000x128xf32, #tpu.memory_space<vmem_shared>> -> memref<10000x128xf32, #tpu.memory_space<vmem_shared>>
      tpu.enqueue_indirect_dma source(%arg7 : memref<80x128xf32, #tpu.memory_space<vmem>>) target(%dma_start3A_246 : memref<10000x128xf32, #tpu.memory_space<vmem_shared>>) offsets(%dma_start3A_243 : memref<80xi32, #tpu.memory_space<vmem>>) semaphore(%arg14 : memref<!tpu.dma_semaphore, #tpu.memory_space<semaphore_mem>>) {add = true}
      %mul3A_247 = arith.constant 3 : i32
      %mul3A_248 = arith.muli %mul3A_247, %scan3A_227 : i32
      %add3A_249 = arith.constant 1 : i32
      %add3A_250 = arith.addi %mul3A_248, %add3A_249 : i32
      %add3A_251 = arith.constant 1 : i32
      %add3A_252 = arith.addi %add3A_250, %add3A_251 : i32
      %lt3A_253 = arith.constant 125 : i32
      %lt3A_254 = arith.cmpi slt, %add3A_252, %lt3A_253 : i32
      %convert_element_type3A_255 = arith.extui %lt3A_254 : i1 to i32
      %cond3A_256 = arith.constant 0 : i32
      %cond3A_257 = arith.cmpi ne, %convert_element_type3A_255, %cond3A_256 : i32
      scf.if %cond3A_257 {
        %add3A_294 = arith.constant 1 : i32
        %add3A_295 = arith.addi %add3A_250, %add3A_294 : i32
        %ge3A = arith.constant 3 : i32
        %ge3A_296 = arith.cmpi sge, %add3A_295, %ge3A : i32
        %convert_element_type3A_297 = arith.extui %ge3A_296 : i1 to i32
        %cond3A_298 = arith.constant 0 : i32
        %cond3A_299 = arith.cmpi ne, %convert_element_type3A_297, %cond3A_298 : i32
        scf.if %cond3A_299 {
          %sub3A = arith.constant 2 : i32
          %sub3A_308 = arith.subi %add3A_250, %sub3A : i32
          %mul3A_309 = arith.constant 80 : i32
          %mul3A_310 = arith.muli %sub3A_308, %mul3A_309 : i32
          %dma_wait3A_311 = tpu.memref_slice %arg6[%mul3A_310] : memref<10000xi32, #tpu.memory_space<vmem>> -> memref<80xi32, #tpu.memory_space<vmem>>
          %dma_wait3A_312 = arith.constant 0 : i32
          %dma_wait3A_313 = arith.constant 0 : i32
          %dma_wait3A_314 = tpu.memref_slice %arg10[%dma_wait3A_312, %dma_wait3A_313] : memref<10000x128xf32, #tpu.memory_space<vmem_shared>> -> memref<10000x128xf32, #tpu.memory_space<vmem_shared>>
          tpu.wait_indirect_dma semaphore(%arg16 : memref<!tpu.dma_semaphore, #tpu.memory_space<semaphore_mem>>) src(%arg9 : memref<80x128xf32, #tpu.memory_space<vmem>>) dst(%dma_wait3A_314 : memref<10000x128xf32, #tpu.memory_space<vmem_shared>>)
        } else {
        }
        %add3A_300 = arith.constant 1 : i32
        %add3A_301 = arith.addi %add3A_250, %add3A_300 : i32
        %mul3A_302 = arith.constant 80 : i32
        %mul3A_303 = arith.muli %add3A_301, %mul3A_302 : i32
        %dma_start3A_304 = tpu.memref_slice %arg5[%mul3A_303] : memref<10000xi32, #tpu.memory_space<vmem>> -> memref<80xi32, #tpu.memory_space<vmem>>
        %dma_start3A_305 = arith.constant 0 : i32
        %dma_start3A_306 = arith.constant 0 : i32
        %dma_start3A_307 = tpu.memref_slice %arg2[%dma_start3A_305, %dma_start3A_306] : memref<10000x128xf32, #tpu.memory_space<hbm>> -> memref<10000x128xf32, #tpu.memory_space<hbm>>
        tpu.enqueue_indirect_dma source(%dma_start3A_307 : memref<10000x128xf32, #tpu.memory_space<hbm>>) target(%arg9 : memref<80x128xf32, #tpu.memory_space<vmem>>) offsets(%dma_start3A_304 : memref<80xi32, #tpu.memory_space<vmem>>) semaphore(%arg13 : memref<!tpu.dma_semaphore, #tpu.memory_space<semaphore_mem>>)
      } else {
      }
      %mul3A_258 = arith.constant 80 : i32
      %mul3A_259 = arith.muli %add3A_250, %mul3A_258 : i32
      %dma_wait3A_260 = tpu.memref_slice %arg5[%mul3A_259] : memref<10000xi32, #tpu.memory_space<vmem>> -> memref<80xi32, #tpu.memory_space<vmem>>
      %dma_wait3A_261 = arith.constant 0 : i32
      %dma_wait3A_262 = arith.constant 0 : i32
      %dma_wait3A_263 = tpu.memref_slice %arg2[%dma_wait3A_261, %dma_wait3A_262] : memref<10000x128xf32, #tpu.memory_space<hbm>> -> memref<10000x128xf32, #tpu.memory_space<hbm>>
      tpu.wait_indirect_dma semaphore(%arg12 : memref<!tpu.dma_semaphore, #tpu.memory_space<semaphore_mem>>) src(%dma_wait3A_263 : memref<10000x128xf32, #tpu.memory_space<hbm>>) dst(%arg8 : memref<80x128xf32, #tpu.memory_space<vmem>>)
      %mul3A_264 = arith.constant 80 : i32
      %mul3A_265 = arith.muli %add3A_250, %mul3A_264 : i32
      %dma_start3A_266 = tpu.memref_slice %arg6[%mul3A_265] : memref<10000xi32, #tpu.memory_space<vmem>> -> memref<80xi32, #tpu.memory_space<vmem>>
      %dma_start3A_267 = arith.constant 0 : i32
      %dma_start3A_268 = arith.constant 0 : i32
      %dma_start3A_269 = tpu.memref_slice %arg10[%dma_start3A_267, %dma_start3A_268] : memref<10000x128xf32, #tpu.memory_space<vmem_shared>> -> memref<10000x128xf32, #tpu.memory_space<vmem_shared>>
      tpu.enqueue_indirect_dma source(%arg8 : memref<80x128xf32, #tpu.memory_space<vmem>>) target(%dma_start3A_269 : memref<10000x128xf32, #tpu.memory_space<vmem_shared>>) offsets(%dma_start3A_266 : memref<80xi32, #tpu.memory_space<vmem>>) semaphore(%arg15 : memref<!tpu.dma_semaphore, #tpu.memory_space<semaphore_mem>>) {add = true}
      %mul3A_270 = arith.constant 3 : i32
      %mul3A_271 = arith.muli %mul3A_270, %scan3A_227 : i32
      %add3A_272 = arith.constant 2 : i32
      %add3A_273 = arith.addi %mul3A_271, %add3A_272 : i32
      %add3A_274 = arith.constant 1 : i32
      %add3A_275 = arith.addi %add3A_273, %add3A_274 : i32
      %lt3A_276 = arith.constant 125 : i32
      %lt3A_277 = arith.cmpi slt, %add3A_275, %lt3A_276 : i32
      %convert_element_type3A_278 = arith.extui %lt3A_277 : i1 to i32
      %cond3A_279 = arith.constant 0 : i32
      %cond3A_280 = arith.cmpi ne, %convert_element_type3A_278, %cond3A_279 : i32
      scf.if %cond3A_280 {
        %add3A_294 = arith.constant 1 : i32
        %add3A_295 = arith.addi %add3A_273, %add3A_294 : i32
        %ge3A = arith.constant 3 : i32
        %ge3A_296 = arith.cmpi sge, %add3A_295, %ge3A : i32
        %convert_element_type3A_297 = arith.extui %ge3A_296 : i1 to i32
        %cond3A_298 = arith.constant 0 : i32
        %cond3A_299 = arith.cmpi ne, %convert_element_type3A_297, %cond3A_298 : i32
        scf.if %cond3A_299 {
          %sub3A = arith.constant 2 : i32
          %sub3A_308 = arith.subi %add3A_273, %sub3A : i32
          %mul3A_309 = arith.constant 80 : i32
          %mul3A_310 = arith.muli %sub3A_308, %mul3A_309 : i32
          %dma_wait3A_311 = tpu.memref_slice %arg6[%mul3A_310] : memref<10000xi32, #tpu.memory_space<vmem>> -> memref<80xi32, #tpu.memory_space<vmem>>
          %dma_wait3A_312 = arith.constant 0 : i32
          %dma_wait3A_313 = arith.constant 0 : i32
          %dma_wait3A_314 = tpu.memref_slice %arg10[%dma_wait3A_312, %dma_wait3A_313] : memref<10000x128xf32, #tpu.memory_space<vmem_shared>> -> memref<10000x128xf32, #tpu.memory_space<vmem_shared>>
          tpu.wait_indirect_dma semaphore(%arg14 : memref<!tpu.dma_semaphore, #tpu.memory_space<semaphore_mem>>) src(%arg7 : memref<80x128xf32, #tpu.memory_space<vmem>>) dst(%dma_wait3A_314 : memref<10000x128xf32, #tpu.memory_space<vmem_shared>>)
        } else {
        }
        %add3A_300 = arith.constant 1 : i32
        %add3A_301 = arith.addi %add3A_273, %add3A_300 : i32
        %mul3A_302 = arith.constant 80 : i32
        %mul3A_303 = arith.muli %add3A_301, %mul3A_302 : i32
        %dma_start3A_304 = tpu.memref_slice %arg5[%mul3A_303] : memref<10000xi32, #tpu.memory_space<vmem>> -> memref<80xi32, #tpu.memory_space<vmem>>
        %dma_start3A_305 = arith.constant 0 : i32
        %dma_start3A_306 = arith.constant 0 : i32
        %dma_start3A_307 = tpu.memref_slice %arg2[%dma_start3A_305, %dma_start3A_306] : memref<10000x128xf32, #tpu.memory_space<hbm>> -> memref<10000x128xf32, #tpu.memory_space<hbm>>
        tpu.enqueue_indirect_dma source(%dma_start3A_307 : memref<10000x128xf32, #tpu.memory_space<hbm>>) target(%arg7 : memref<80x128xf32, #tpu.memory_space<vmem>>) offsets(%dma_start3A_304 : memref<80xi32, #tpu.memory_space<vmem>>) semaphore(%arg11 : memref<!tpu.dma_semaphore, #tpu.memory_space<semaphore_mem>>)
      } else {
      }
      %mul3A_281 = arith.constant 80 : i32
      %mul3A_282 = arith.muli %add3A_273, %mul3A_281 : i32
      %dma_wait3A_283 = tpu.memref_slice %arg5[%mul3A_282] : memref<10000xi32, #tpu.memory_space<vmem>> -> memref<80xi32, #tpu.memory_space<vmem>>
      %dma_wait3A_284 = arith.constant 0 : i32
      %dma_wait3A_285 = arith.constant 0 : i32
      %dma_wait3A_286 = tpu.memref_slice %arg2[%dma_wait3A_284, %dma_wait3A_285] : memref<10000x128xf32, #tpu.memory_space<hbm>> -> memref<10000x128xf32, #tpu.memory_space<hbm>>
      tpu.wait_indirect_dma semaphore(%arg13 : memref<!tpu.dma_semaphore, #tpu.memory_space<semaphore_mem>>) src(%dma_wait3A_286 : memref<10000x128xf32, #tpu.memory_space<hbm>>) dst(%arg9 : memref<80x128xf32, #tpu.memory_space<vmem>>)
      %mul3A_287 = arith.constant 80 : i32
      %mul3A_288 = arith.muli %add3A_273, %mul3A_287 : i32
      %dma_start3A_289 = tpu.memref_slice %arg6[%mul3A_288] : memref<10000xi32, #tpu.memory_space<vmem>> -> memref<80xi32, #tpu.memory_space<vmem>>
      %dma_start3A_290 = arith.constant 0 : i32
      %dma_start3A_291 = arith.constant 0 : i32
      %dma_start3A_292 = tpu.memref_slice %arg10[%dma_start3A_290, %dma_start3A_291] : memref<10000x128xf32, #tpu.memory_space<vmem_shared>> -> memref<10000x128xf32, #tpu.memory_space<vmem_shared>>
      tpu.enqueue_indirect_dma source(%arg9 : memref<80x128xf32, #tpu.memory_space<vmem>>) target(%dma_start3A_292 : memref<10000x128xf32, #tpu.memory_space<vmem_shared>>) offsets(%dma_start3A_289 : memref<80xi32, #tpu.memory_space<vmem>>) semaphore(%arg16 : memref<!tpu.dma_semaphore, #tpu.memory_space<semaphore_mem>>) {add = true}
      %scan3A_293 = arith.constant 0 : i32
      scf.yield %scan3A_293 : i32
    }
    %scan3A_176 = arith.constant 41 : i32
    %dma_wait3A_177 = arith.constant 9680 : i32
    %dma_wait3A_178 = tpu.memref_slice %arg6[%dma_wait3A_177] : memref<10000xi32, #tpu.memory_space<vmem>> -> memref<80xi32, #tpu.memory_space<vmem>>
    %dma_wait3A_179 = arith.constant 0 : i32
    %dma_wait3A_180 = arith.constant 0 : i32
    %dma_wait3A_181 = tpu.memref_slice %arg10[%dma_wait3A_179, %dma_wait3A_180] : memref<10000x128xf32, #tpu.memory_space<vmem_shared>> -> memref<10000x128xf32, #tpu.memory_space<vmem_shared>>
    tpu.wait_indirect_dma semaphore(%arg15 : memref<!tpu.dma_semaphore, #tpu.memory_space<semaphore_mem>>) src(%arg8 : memref<80x128xf32, #tpu.memory_space<vmem>>) dst(%dma_wait3A_181 : memref<10000x128xf32, #tpu.memory_space<vmem_shared>>)
    %dma_start3A_182 = arith.constant 9920 : i32
    %dma_start3A_183 = tpu.memref_slice %arg5[%dma_start3A_182] : memref<10000xi32, #tpu.memory_space<vmem>> -> memref<80xi32, #tpu.memory_space<vmem>>
    %dma_start3A_184 = arith.constant 0 : i32
    %dma_start3A_185 = arith.constant 0 : i32
    %dma_start3A_186 = tpu.memref_slice %arg2[%dma_start3A_184, %dma_start3A_185] : memref<10000x128xf32, #tpu.memory_space<hbm>> -> memref<10000x128xf32, #tpu.memory_space<hbm>>
    tpu.enqueue_indirect_dma source(%dma_start3A_186 : memref<10000x128xf32, #tpu.memory_space<hbm>>) target(%arg8 : memref<80x128xf32, #tpu.memory_space<vmem>>) offsets(%dma_start3A_183 : memref<80xi32, #tpu.memory_space<vmem>>) semaphore(%arg12 : memref<!tpu.dma_semaphore, #tpu.memory_space<semaphore_mem>>)
    %dma_wait3A_187 = arith.constant 9840 : i32
    %dma_wait3A_188 = tpu.memref_slice %arg5[%dma_wait3A_187] : memref<10000xi32, #tpu.memory_space<vmem>> -> memref<80xi32, #tpu.memory_space<vmem>>
    %dma_wait3A_189 = arith.constant 0 : i32
    %dma_wait3A_190 = arith.constant 0 : i32
    %dma_wait3A_191 = tpu.memref_slice %arg2[%dma_wait3A_189, %dma_wait3A_190] : memref<10000x128xf32, #tpu.memory_space<hbm>> -> memref<10000x128xf32, #tpu.memory_space<hbm>>
    tpu.wait_indirect_dma semaphore(%arg11 : memref<!tpu.dma_semaphore, #tpu.memory_space<semaphore_mem>>) src(%dma_wait3A_191 : memref<10000x128xf32, #tpu.memory_space<hbm>>) dst(%arg7 : memref<80x128xf32, #tpu.memory_space<vmem>>)
    %dma_start3A_192 = arith.constant 9840 : i32
    %dma_start3A_193 = tpu.memref_slice %arg6[%dma_start3A_192] : memref<10000xi32, #tpu.memory_space<vmem>> -> memref<80xi32, #tpu.memory_space<vmem>>
    %dma_start3A_194 = arith.constant 0 : i32
    %dma_start3A_195 = arith.constant 0 : i32
    %dma_start3A_196 = tpu.memref_slice %arg10[%dma_start3A_194, %dma_start3A_195] : memref<10000x128xf32, #tpu.memory_space<vmem_shared>> -> memref<10000x128xf32, #tpu.memory_space<vmem_shared>>
    tpu.enqueue_indirect_dma source(%arg7 : memref<80x128xf32, #tpu.memory_space<vmem>>) target(%dma_start3A_196 : memref<10000x128xf32, #tpu.memory_space<vmem_shared>>) offsets(%dma_start3A_193 : memref<80xi32, #tpu.memory_space<vmem>>) semaphore(%arg14 : memref<!tpu.dma_semaphore, #tpu.memory_space<semaphore_mem>>) {add = true}
    %dma_wait3A_197 = arith.constant 9920 : i32
    %dma_wait3A_198 = tpu.memref_slice %arg5[%dma_wait3A_197] : memref<10000xi32, #tpu.memory_space<vmem>> -> memref<80xi32, #tpu.memory_space<vmem>>
    %dma_wait3A_199 = arith.constant 0 : i32
    %dma_wait3A_200 = arith.constant 0 : i32
    %dma_wait3A_201 = tpu.memref_slice %arg2[%dma_wait3A_199, %dma_wait3A_200] : memref<10000x128xf32, #tpu.memory_space<hbm>> -> memref<10000x128xf32, #tpu.memory_space<hbm>>
    tpu.wait_indirect_dma semaphore(%arg12 : memref<!tpu.dma_semaphore, #tpu.memory_space<semaphore_mem>>) src(%dma_wait3A_201 : memref<10000x128xf32, #tpu.memory_space<hbm>>) dst(%arg8 : memref<80x128xf32, #tpu.memory_space<vmem>>)
    %dma_start3A_202 = arith.constant 9920 : i32
    %dma_start3A_203 = tpu.memref_slice %arg6[%dma_start3A_202] : memref<10000xi32, #tpu.memory_space<vmem>> -> memref<80xi32, #tpu.memory_space<vmem>>
    %dma_start3A_204 = arith.constant 0 : i32
    %dma_start3A_205 = arith.constant 0 : i32
    %dma_start3A_206 = tpu.memref_slice %arg10[%dma_start3A_204, %dma_start3A_205] : memref<10000x128xf32, #tpu.memory_space<vmem_shared>> -> memref<10000x128xf32, #tpu.memory_space<vmem_shared>>
    tpu.enqueue_indirect_dma source(%arg8 : memref<80x128xf32, #tpu.memory_space<vmem>>) target(%dma_start3A_206 : memref<10000x128xf32, #tpu.memory_space<vmem_shared>>) offsets(%dma_start3A_203 : memref<80xi32, #tpu.memory_space<vmem>>) semaphore(%arg15 : memref<!tpu.dma_semaphore, #tpu.memory_space<semaphore_mem>>) {add = true}
    %dma_wait3A_207 = arith.constant 9760 : i32
    %dma_wait3A_208 = tpu.memref_slice %arg6[%dma_wait3A_207] : memref<10000xi32, #tpu.memory_space<vmem>> -> memref<80xi32, #tpu.memory_space<vmem>>
    %dma_wait3A_209 = arith.constant 0 : i32
    %dma_wait3A_210 = arith.constant 0 : i32
    %dma_wait3A_211 = tpu.memref_slice %arg10[%dma_wait3A_209, %dma_wait3A_210] : memref<10000x128xf32, #tpu.memory_space<vmem_shared>> -> memref<10000x128xf32, #tpu.memory_space<vmem_shared>>
    tpu.wait_indirect_dma semaphore(%arg16 : memref<!tpu.dma_semaphore, #tpu.memory_space<semaphore_mem>>) src(%arg9 : memref<80x128xf32, #tpu.memory_space<vmem>>) dst(%dma_wait3A_211 : memref<10000x128xf32, #tpu.memory_space<vmem_shared>>)
    %dma_wait3A_212 = arith.constant 9840 : i32
    %dma_wait3A_213 = tpu.memref_slice %arg6[%dma_wait3A_212] : memref<10000xi32, #tpu.memory_space<vmem>> -> memref<80xi32, #tpu.memory_space<vmem>>
    %dma_wait3A_214 = arith.constant 0 : i32
    %dma_wait3A_215 = arith.constant 0 : i32
    %dma_wait3A_216 = tpu.memref_slice %arg10[%dma_wait3A_214, %dma_wait3A_215] : memref<10000x128xf32, #tpu.memory_space<vmem_shared>> -> memref<10000x128xf32, #tpu.memory_space<vmem_shared>>
    tpu.wait_indirect_dma semaphore(%arg14 : memref<!tpu.dma_semaphore, #tpu.memory_space<semaphore_mem>>) src(%arg7 : memref<80x128xf32, #tpu.memory_space<vmem>>) dst(%dma_wait3A_216 : memref<10000x128xf32, #tpu.memory_space<vmem_shared>>)
    %dma_wait3A_217 = arith.constant 9920 : i32
    %dma_wait3A_218 = tpu.memref_slice %arg6[%dma_wait3A_217] : memref<10000xi32, #tpu.memory_space<vmem>> -> memref<80xi32, #tpu.memory_space<vmem>>
    %dma_wait3A_219 = arith.constant 0 : i32
    %dma_wait3A_220 = arith.constant 0 : i32
    %dma_wait3A_221 = tpu.memref_slice %arg10[%dma_wait3A_219, %dma_wait3A_220] : memref<10000x128xf32, #tpu.memory_space<vmem_shared>> -> memref<10000x128xf32, #tpu.memory_space<vmem_shared>>
    tpu.wait_indirect_dma semaphore(%arg15 : memref<!tpu.dma_semaphore, #tpu.memory_space<semaphore_mem>>) src(%arg8 : memref<80x128xf32, #tpu.memory_space<vmem>>) dst(%dma_wait3A_221 : memref<10000x128xf32, #tpu.memory_space<vmem_shared>>)
    %barrier3A_222 = arith.constant 0 : index
    tpu.barrier barrier_id(%barrier3A_222)
    %mul3A_223 = arith.constant 625 : i32
    %mul3A_224 = arith.muli %arg1, %mul3A_223 : i32
    %mul3A_225 = arith.constant 625 : i32
    %mul3A_226 = arith.muli %arg1, %mul3A_225 : i32
    "tpu.region"() ({
      %run_scoped3A = tpu.sem_alloc : memref<!tpu.dma_semaphore, #tpu.memory_space<semaphore_mem>>
      %dma_start3A_227 = arith.constant 0 : i32
      %dma_start3A_228 = tpu.memref_slice %arg4[%arg0, %mul3A_226, %dma_start3A_227] : memref<2x10000x128xf32, #tpu.memory_space<hbm>> -> memref<1x625x128xf32, #tpu.memory_space<hbm>>
      %dma_start3A_229 = tpu.memref_squeeze %dma_start3A_228 : memref<1x625x128xf32, #tpu.memory_space<hbm>> -> memref<625x128xf32, #tpu.memory_space<hbm>>
      %dma_start3A_230 = arith.constant 0 : i32
      %dma_start3A_231 = tpu.memref_slice %arg10[%mul3A_224, %dma_start3A_230] : memref<10000x128xf32, #tpu.memory_space<vmem_shared>> -> memref<625x128xf32, #tpu.memory_space<vmem_shared>>
      tpu.enqueue_dma source(%dma_start3A_231 : memref<625x128xf32, #tpu.memory_space<vmem_shared>>) target(%dma_start3A_229 : memref<625x128xf32, #tpu.memory_space<hbm>>) target_semaphore(%run_scoped3A : memref<!tpu.dma_semaphore, #tpu.memory_space<semaphore_mem>>)
      %dma_wait3A_232 = arith.constant 0 : i32
      %dma_wait3A_233 = tpu.memref_slice %arg4[%arg0, %mul3A_226, %dma_wait3A_232] : memref<2x10000x128xf32, #tpu.memory_space<hbm>> -> memref<1x625x128xf32, #tpu.memory_space<hbm>>
      %dma_wait3A_234 = tpu.memref_squeeze %dma_wait3A_233 : memref<1x625x128xf32, #tpu.memory_space<hbm>> -> memref<625x128xf32, #tpu.memory_space<hbm>>
      %dma_wait3A_235 = arith.constant 0 : i32
      %dma_wait3A_236 = tpu.memref_slice %arg10[%mul3A_224, %dma_wait3A_235] : memref<10000x128xf32, #tpu.memory_space<vmem_shared>> -> memref<625x128xf32, #tpu.memory_space<vmem_shared>>
      tpu.wait_dma2 semaphore(%run_scoped3A : memref<!tpu.dma_semaphore, #tpu.memory_space<semaphore_mem>>) src(%dma_wait3A_236 : memref<625x128xf32, #tpu.memory_space<vmem_shared>>) dst(%dma_wait3A_234 : memref<625x128xf32, #tpu.memory_space<hbm>>)
      tpu.yield
    }) : () -> ()
    return
  }
}

module attributes {stable_mosaic.version = 14 : i64} {
  func.func @body(%arg0: i32, %arg1: memref<2x2000x16xf32, #tpu.memory_space<vmem>>, %arg2: memref<2000x128xf32, #tpu.memory_space<vmem>>, %arg3: memref<2000x128xf32, #tpu.memory_space<vmem>>) attributes {dimension_semantics = [#tpu.dimension_semantics<arbitrary>], iteration_bounds = array<i64: 5>, scalar_prefetch = 0 : i64, scratch_operands = 0 : i64, tpu.core_type = #tpu.core_type<tc>, window_params = [{transform_indices = @transform_0, window_bounds = array<i64: 2, 2000, 16>}, {transform_indices = @transform_1, window_bounds = array<i64: 2000, 128>}, {transform_indices = @transform_2, window_bounds = array<i64: 2000, 128>}]} {
    %get3A = arith.constant 0 : index
    %get3A_0 = arith.constant 0 : index
    %get3A_1 = arith.constant 0 : index
    %get3A_2 = vector.load %arg1[%get3A, %get3A_0, %get3A_1] : memref<2x2000x16xf32, #tpu.memory_space<vmem>>, vector<1x2000x1xf32>
    %get3A_3 = vector.shape_cast %get3A_2 : vector<1x2000x1xf32> to vector<2000xf32>
    %get3A_4 = arith.constant 1 : index
    %get3A_5 = arith.constant 0 : index
    %get3A_6 = arith.constant 0 : index
    %get3A_7 = vector.load %arg1[%get3A_4, %get3A_5, %get3A_6] : memref<2x2000x16xf32, #tpu.memory_space<vmem>>, vector<1x2000x1xf32>
    %get3A_8 = vector.shape_cast %get3A_7 : vector<1x2000x1xf32> to vector<2000xf32>
    %add3A = arith.addf %get3A_3, %get3A_8 : vector<2000xf32>
    %add3A_9 = arith.constant 1.000000e+00 : f32
    %add3A_10 = vector.broadcast %add3A_9 : f32 to vector<2000xf32>
    %add3A_11 = arith.addf %add3A, %add3A_10 : vector<2000xf32>
    %rsqrt3A = math.rsqrt %add3A_11 : vector<2000xf32>
    %broadcast_in_dim3A = vector.shape_cast %rsqrt3A : vector<2000xf32> to vector<2000x1xf32>
    %get3A_12 = arith.constant 0 : index
    %get3A_13 = arith.constant 0 : index
    %get3A_14 = vector.load %arg2[%get3A_12, %get3A_13] : memref<2000x128xf32, #tpu.memory_space<vmem>>, vector<2000x128xf32>
    %mul3A = vector.broadcast %broadcast_in_dim3A : vector<2000x1xf32> to vector<2000x128xf32>
    %mul3A_15 = arith.mulf %mul3A, %get3A_14 : vector<2000x128xf32>
    %swap3A = arith.constant 0 : index
    %swap3A_16 = arith.constant 0 : index
    %swap3A_17 = vector.load %arg3[%swap3A, %swap3A_16] : memref<2000x128xf32, #tpu.memory_space<vmem>>, vector<2000x128xf32>
    tpu.vector_store %arg3[%swap3A, %swap3A_16], %mul3A_15 {strides = array<i32>} : memref<2000x128xf32, #tpu.memory_space<vmem>>, vector<2000x128xf32>,
    return
  }
  func.func @transform_0(%arg0: i32) -> (i32, i32, i32) {
    %c0_i32 = arith.constant 0 : i32
    %c0_i32_0 = arith.constant 0 : i32
    %c0_i32_1 = arith.constant 0 : i32
    return %c0_i32, %arg0, %c0_i32_0 : i32, i32, i32
  }
  func.func @transform_1(%arg0: i32) -> (i32, i32) {
    %c0_i32 = arith.constant 0 : i32
    %c0_i32_0 = arith.constant 0 : i32
    return %arg0, %c0_i32 : i32, i32
  }
  func.func @transform_2(%arg0: i32) -> (i32, i32) {
    %c0_i32 = arith.constant 0 : i32
    %c0_i32_0 = arith.constant 0 : i32
    return %arg0, %c0_i32 : i32, i32
  }
}

module attributes {stable_mosaic.version = 14 : i64} {
  func.func @body(%arg0: i32, %arg1: memref<2000x128xf32, #tpu.memory_space<vmem>>, %arg2: memref<128x128xf32, #tpu.memory_space<vmem>>, %arg3: memref<2000x128xf32, #tpu.memory_space<vmem>>) attributes {dimension_semantics = [#tpu.dimension_semantics<arbitrary>], iteration_bounds = array<i64: 5>, scalar_prefetch = 0 : i64, scratch_operands = 0 : i64, tpu.core_type = #tpu.core_type<tc>, window_params = [{transform_indices = @transform_0, window_bounds = array<i64: 2000, 128>}, {pipeline_mode = #tpu.pipeline_mode<synchronous>, transform_indices = @transform_1, window_bounds = array<i64: 128, 128>}, {transform_indices = @transform_2, window_bounds = array<i64: 2000, 128>}]} {
    %get3A = arith.constant 0 : index
    %get3A_0 = arith.constant 0 : index
    %get3A_1 = vector.load %arg1[%get3A, %get3A_0] : memref<2000x128xf32, #tpu.memory_space<vmem>>, vector<2000x128xf32>
    %get3A_2 = arith.constant 0 : index
    %get3A_3 = arith.constant 0 : index
    %get3A_4 = vector.load %arg2[%get3A_2, %get3A_3] : memref<128x128xf32, #tpu.memory_space<vmem>>, vector<128x128xf32>
    %dot_general3A = arith.constant dense<0.000000e+00> : vector<2000x128xf32>
    %dot_general3A_5 = tpu.matmul %get3A_1, %get3A_4, %dot_general3A {dimension_numbers = #tpu.dot_dimension_numbers<[1], [0], [0], [1], [0, 0, 1, 1], [], []>, transpose_lhs_hint = false} : vector<2000x128xf32>, vector<128x128xf32>, vector<2000x128xf32> -> vector<2000x128xf32>
    %swap3A = arith.constant 0 : index
    %swap3A_6 = arith.constant 0 : index
    %swap3A_7 = vector.load %arg3[%swap3A, %swap3A_6] : memref<2000x128xf32, #tpu.memory_space<vmem>>, vector<2000x128xf32>
    tpu.vector_store %arg3[%swap3A, %swap3A_6], %dot_general3A_5 {strides = array<i32>} : memref<2000x128xf32, #tpu.memory_space<vmem>>, vector<2000x128xf32>,
    return
  }
  func.func @transform_0(%arg0: i32) -> (i32, i32) {
    %c0_i32 = arith.constant 0 : i32
    %c0_i32_0 = arith.constant 0 : i32
    return %arg0, %c0_i32 : i32, i32
  }
  func.func @transform_1(%arg0: i32) -> (i32, i32) {
    %c0_i32 = arith.constant 0 : i32
    %c0_i32_0 = arith.constant 0 : i32
    %c0_i32_1 = arith.constant 0 : i32
    return %c0_i32, %c0_i32_0 : i32, i32
  }
  func.func @transform_2(%arg0: i32) -> (i32, i32) {
    %c0_i32 = arith.constant 0 : i32
    %c0_i32_0 = arith.constant 0 : i32
    return %arg0, %c0_i32 : i32, i32
  }
}

module attributes {stable_mosaic.version = 14 : i64} {
  func.func @body(%arg0: i32, %arg1: memref<2x2000x16xf32, #tpu.memory_space<vmem>>, %arg2: memref<2x2000x128xf32, #tpu.memory_space<vmem>>, %arg3: memref<2000x128xf32, #tpu.memory_space<vmem>>, %arg4: memref<1x128xf32, #tpu.memory_space<vmem>>, %arg5: memref<128x128xf32, #tpu.memory_space<vmem>>, %arg6: memref<2000x128xf32, #tpu.memory_space<vmem>>) attributes {dimension_semantics = [#tpu.dimension_semantics<arbitrary>], iteration_bounds = array<i64: 5>, scalar_prefetch = 0 : i64, scratch_operands = 0 : i64, tpu.core_type = #tpu.core_type<tc>, window_params = [{transform_indices = @transform_0, window_bounds = array<i64: 2, 2000, 16>}, {transform_indices = @transform_1, window_bounds = array<i64: 2, 2000, 128>}, {transform_indices = @transform_2, window_bounds = array<i64: 2000, 128>}, {pipeline_mode = #tpu.pipeline_mode<synchronous>, transform_indices = @transform_3, window_bounds = array<i64: 1, 128>}, {pipeline_mode = #tpu.pipeline_mode<synchronous>, transform_indices = @transform_4, window_bounds = array<i64: 128, 128>}, {transform_indices = @transform_5, window_bounds = array<i64: 2000, 128>}]} {
    %get3A = arith.constant 0 : index
    %get3A_0 = arith.constant 0 : index
    %get3A_1 = arith.constant 0 : index
    %get3A_2 = vector.load %arg1[%get3A, %get3A_0, %get3A_1] : memref<2x2000x16xf32, #tpu.memory_space<vmem>>, vector<1x2000x1xf32>
    %get3A_3 = vector.shape_cast %get3A_2 : vector<1x2000x1xf32> to vector<2000xf32>
    %get3A_4 = arith.constant 1 : index
    %get3A_5 = arith.constant 0 : index
    %get3A_6 = arith.constant 0 : index
    %get3A_7 = vector.load %arg1[%get3A_4, %get3A_5, %get3A_6] : memref<2x2000x16xf32, #tpu.memory_space<vmem>>, vector<1x2000x1xf32>
    %get3A_8 = vector.shape_cast %get3A_7 : vector<1x2000x1xf32> to vector<2000xf32>
    %add3A = arith.addf %get3A_3, %get3A_8 : vector<2000xf32>
    %add3A_9 = arith.constant 1.000000e+00 : f32
    %add3A_10 = vector.broadcast %add3A_9 : f32 to vector<2000xf32>
    %add3A_11 = arith.addf %add3A, %add3A_10 : vector<2000xf32>
    %rsqrt3A = math.rsqrt %add3A_11 : vector<2000xf32>
    %broadcast_in_dim3A = vector.shape_cast %rsqrt3A : vector<2000xf32> to vector<2000x1xf32>
    %get3A_12 = arith.constant 0 : index
    %get3A_13 = arith.constant 0 : index
    %get3A_14 = arith.constant 0 : index
    %get3A_15 = vector.load %arg2[%get3A_12, %get3A_13, %get3A_14] : memref<2x2000x128xf32, #tpu.memory_space<vmem>>, vector<1x2000x128xf32>
    %get3A_16 = vector.shape_cast %get3A_15 : vector<1x2000x128xf32> to vector<2000x128xf32>
    %get3A_17 = arith.constant 1 : index
    %get3A_18 = arith.constant 0 : index
    %get3A_19 = arith.constant 0 : index
    %get3A_20 = vector.load %arg2[%get3A_17, %get3A_18, %get3A_19] : memref<2x2000x128xf32, #tpu.memory_space<vmem>>, vector<1x2000x128xf32>
    %get3A_21 = vector.shape_cast %get3A_20 : vector<1x2000x128xf32> to vector<2000x128xf32>
    %add3A_22 = arith.addf %get3A_16, %get3A_21 : vector<2000x128xf32>
    %get3A_23 = arith.constant 0 : index
    %get3A_24 = arith.constant 0 : index
    %get3A_25 = vector.load %arg3[%get3A_23, %get3A_24] : memref<2000x128xf32, #tpu.memory_space<vmem>>, vector<2000x128xf32>
    %add3A_26 = arith.addf %add3A_22, %get3A_25 : vector<2000x128xf32>
    %mul3A = vector.broadcast %broadcast_in_dim3A : vector<2000x1xf32> to vector<2000x128xf32>
    %mul3A_27 = arith.mulf %mul3A, %add3A_26 : vector<2000x128xf32>
    %get3A_28 = arith.constant 0 : index
    %get3A_29 = arith.constant 0 : index
    %get3A_30 = vector.load %arg4[%get3A_28, %get3A_29] : memref<1x128xf32, #tpu.memory_space<vmem>>, vector<1x128xf32>
    %add3A_31 = vector.broadcast %get3A_30 : vector<1x128xf32> to vector<2000x128xf32>
    %add3A_32 = arith.addf %mul3A_27, %add3A_31 : vector<2000x128xf32>
    %max3A = arith.constant 0.000000e+00 : f32
    %max3A_33 = vector.broadcast %max3A : f32 to vector<2000x128xf32>
    %max3A_34 = arith.maximumf %add3A_32, %max3A_33 : vector<2000x128xf32>
    %get3A_35 = arith.constant 0 : index
    %get3A_36 = arith.constant 0 : index
    %get3A_37 = vector.load %arg5[%get3A_35, %get3A_36] : memref<128x128xf32, #tpu.memory_space<vmem>>, vector<128x128xf32>
    %dot_general3A = arith.constant dense<0.000000e+00> : vector<2000x128xf32>
    %dot_general3A_38 = tpu.matmul %max3A_34, %get3A_37, %dot_general3A {dimension_numbers = #tpu.dot_dimension_numbers<[1], [0], [0], [1], [0, 0, 1, 1], [], []>, transpose_lhs_hint = false} : vector<2000x128xf32>, vector<128x128xf32>, vector<2000x128xf32> -> vector<2000x128xf32>
    %mul3A_39 = vector.broadcast %broadcast_in_dim3A : vector<2000x1xf32> to vector<2000x128xf32>
    %mul3A_40 = arith.mulf %mul3A_39, %dot_general3A_38 : vector<2000x128xf32>
    %swap3A = arith.constant 0 : index
    %swap3A_41 = arith.constant 0 : index
    %swap3A_42 = vector.load %arg6[%swap3A, %swap3A_41] : memref<2000x128xf32, #tpu.memory_space<vmem>>, vector<2000x128xf32>
    tpu.vector_store %arg6[%swap3A, %swap3A_41], %mul3A_40 {strides = array<i32>} : memref<2000x128xf32, #tpu.memory_space<vmem>>, vector<2000x128xf32>,
    return
  }
  func.func @transform_0(%arg0: i32) -> (i32, i32, i32) {
    %c0_i32 = arith.constant 0 : i32
    %c0_i32_0 = arith.constant 0 : i32
    %c0_i32_1 = arith.constant 0 : i32
    return %c0_i32, %arg0, %c0_i32_0 : i32, i32, i32
  }
  func.func @transform_1(%arg0: i32) -> (i32, i32, i32) {
    %c0_i32 = arith.constant 0 : i32
    %c0_i32_0 = arith.constant 0 : i32
    %c0_i32_1 = arith.constant 0 : i32
    return %c0_i32, %arg0, %c0_i32_0 : i32, i32, i32
  }
  func.func @transform_2(%arg0: i32) -> (i32, i32) {
    %c0_i32 = arith.constant 0 : i32
    %c0_i32_0 = arith.constant 0 : i32
    return %arg0, %c0_i32 : i32, i32
  }
  func.func @transform_3(%arg0: i32) -> (i32, i32) {
    %c0_i32 = arith.constant 0 : i32
    %c0_i32_0 = arith.constant 0 : i32
    %c0_i32_1 = arith.constant 0 : i32
    return %c0_i32, %c0_i32_0 : i32, i32
  }
  func.func @transform_4(%arg0: i32) -> (i32, i32) {
    %c0_i32 = arith.constant 0 : i32
    %c0_i32_0 = arith.constant 0 : i32
    %c0_i32_1 = arith.constant 0 : i32
    return %c0_i32, %c0_i32_0 : i32, i32
  }
  func.func @transform_5(%arg0: i32) -> (i32, i32) {
    %c0_i32 = arith.constant 0 : i32
    %c0_i32_0 = arith.constant 0 : i32
    return %arg0, %c0_i32 : i32, i32
  }
}

module attributes {stable_mosaic.version = 14 : i64} {
  func.func @body(%arg0: i32, %arg1: memref<2x2000x16xf32, #tpu.memory_space<vmem>>, %arg2: memref<2x2000x128xf32, #tpu.memory_space<vmem>>, %arg3: memref<2000x128xf32, #tpu.memory_space<vmem>>, %arg4: memref<1x128xf32, #tpu.memory_space<vmem>>, %arg5: memref<2000x128xf32, #tpu.memory_space<vmem>>) attributes {dimension_semantics = [#tpu.dimension_semantics<arbitrary>], iteration_bounds = array<i64: 5>, scalar_prefetch = 0 : i64, scratch_operands = 0 : i64, tpu.core_type = #tpu.core_type<tc>, window_params = [{transform_indices = @transform_0, window_bounds = array<i64: 2, 2000, 16>}, {transform_indices = @transform_1, window_bounds = array<i64: 2, 2000, 128>}, {transform_indices = @transform_2, window_bounds = array<i64: 2000, 128>}, {pipeline_mode = #tpu.pipeline_mode<synchronous>, transform_indices = @transform_3, window_bounds = array<i64: 1, 128>}, {transform_indices = @transform_4, window_bounds = array<i64: 2000, 128>}]} {
    %get3A = arith.constant 0 : index
    %get3A_0 = arith.constant 0 : index
    %get3A_1 = arith.constant 0 : index
    %get3A_2 = vector.load %arg1[%get3A, %get3A_0, %get3A_1] : memref<2x2000x16xf32, #tpu.memory_space<vmem>>, vector<1x2000x1xf32>
    %get3A_3 = vector.shape_cast %get3A_2 : vector<1x2000x1xf32> to vector<2000xf32>
    %get3A_4 = arith.constant 1 : index
    %get3A_5 = arith.constant 0 : index
    %get3A_6 = arith.constant 0 : index
    %get3A_7 = vector.load %arg1[%get3A_4, %get3A_5, %get3A_6] : memref<2x2000x16xf32, #tpu.memory_space<vmem>>, vector<1x2000x1xf32>
    %get3A_8 = vector.shape_cast %get3A_7 : vector<1x2000x1xf32> to vector<2000xf32>
    %add3A = arith.addf %get3A_3, %get3A_8 : vector<2000xf32>
    %add3A_9 = arith.constant 1.000000e+00 : f32
    %add3A_10 = vector.broadcast %add3A_9 : f32 to vector<2000xf32>
    %add3A_11 = arith.addf %add3A, %add3A_10 : vector<2000xf32>
    %rsqrt3A = math.rsqrt %add3A_11 : vector<2000xf32>
    %broadcast_in_dim3A = vector.shape_cast %rsqrt3A : vector<2000xf32> to vector<2000x1xf32>
    %get3A_12 = arith.constant 0 : index
    %get3A_13 = arith.constant 0 : index
    %get3A_14 = arith.constant 0 : index
    %get3A_15 = vector.load %arg2[%get3A_12, %get3A_13, %get3A_14] : memref<2x2000x128xf32, #tpu.memory_space<vmem>>, vector<1x2000x128xf32>
    %get3A_16 = vector.shape_cast %get3A_15 : vector<1x2000x128xf32> to vector<2000x128xf32>
    %get3A_17 = arith.constant 1 : index
    %get3A_18 = arith.constant 0 : index
    %get3A_19 = arith.constant 0 : index
    %get3A_20 = vector.load %arg2[%get3A_17, %get3A_18, %get3A_19] : memref<2x2000x128xf32, #tpu.memory_space<vmem>>, vector<1x2000x128xf32>
    %get3A_21 = vector.shape_cast %get3A_20 : vector<1x2000x128xf32> to vector<2000x128xf32>
    %add3A_22 = arith.addf %get3A_16, %get3A_21 : vector<2000x128xf32>
    %get3A_23 = arith.constant 0 : index
    %get3A_24 = arith.constant 0 : index
    %get3A_25 = vector.load %arg3[%get3A_23, %get3A_24] : memref<2000x128xf32, #tpu.memory_space<vmem>>, vector<2000x128xf32>
    %add3A_26 = arith.addf %add3A_22, %get3A_25 : vector<2000x128xf32>
    %mul3A = vector.broadcast %broadcast_in_dim3A : vector<2000x1xf32> to vector<2000x128xf32>
    %mul3A_27 = arith.mulf %mul3A, %add3A_26 : vector<2000x128xf32>
    %get3A_28 = arith.constant 0 : index
    %get3A_29 = arith.constant 0 : index
    %get3A_30 = vector.load %arg4[%get3A_28, %get3A_29] : memref<1x128xf32, #tpu.memory_space<vmem>>, vector<1x128xf32>
    %add3A_31 = vector.broadcast %get3A_30 : vector<1x128xf32> to vector<2000x128xf32>
    %add3A_32 = arith.addf %mul3A_27, %add3A_31 : vector<2000x128xf32>
    %swap3A = arith.constant 0 : index
    %swap3A_33 = arith.constant 0 : index
    %swap3A_34 = vector.load %arg5[%swap3A, %swap3A_33] : memref<2000x128xf32, #tpu.memory_space<vmem>>, vector<2000x128xf32>
    tpu.vector_store %arg5[%swap3A, %swap3A_33], %add3A_32 {strides = array<i32>} : memref<2000x128xf32, #tpu.memory_space<vmem>>, vector<2000x128xf32>,
    return
  }
  func.func @transform_0(%arg0: i32) -> (i32, i32, i32) {
    %c0_i32 = arith.constant 0 : i32
    %c0_i32_0 = arith.constant 0 : i32
    %c0_i32_1 = arith.constant 0 : i32
    return %c0_i32, %arg0, %c0_i32_0 : i32, i32, i32
  }
  func.func @transform_1(%arg0: i32) -> (i32, i32, i32) {
    %c0_i32 = arith.constant 0 : i32
    %c0_i32_0 = arith.constant 0 : i32
    %c0_i32_1 = arith.constant 0 : i32
    return %c0_i32, %arg0, %c0_i32_0 : i32, i32, i32
  }
  func.func @transform_2(%arg0: i32) -> (i32, i32) {
    %c0_i32 = arith.constant 0 : i32
    %c0_i32_0 = arith.constant 0 : i32
    return %arg0, %c0_i32 : i32, i32
  }
  func.func @transform_3(%arg0: i32) -> (i32, i32) {
    %c0_i32 = arith.constant 0 : i32
    %c0_i32_0 = arith.constant 0 : i32
    %c0_i32_1 = arith.constant 0 : i32
    return %c0_i32, %c0_i32_0 : i32, i32
  }
  func.func @transform_4(%arg0: i32) -> (i32, i32) {
    %c0_i32 = arith.constant 0 : i32
    %c0_i32_0 = arith.constant 0 : i32
    return %arg0, %c0_i32 : i32, i32
  }
}

</mosaic_0001>

<sc_bundles>
// kernel: kernel.12.cloned.1.call-start
scs
__scs_entry_jumppad:
0x0: {  	(pc) =	sbr.rel $0x88, $3  }
0x1: {  	(tag) =	ssettag $0x0;
	lr =	simm.s32 $0x1  }
0x2: {  	[smem:$0x3F9B] =	sst lr;
	_ =	strace $0xD0000000  }
0x3: {  	_ = 	snop  }
0x4: {  	_ = 	snop  }
0x5: {  	_ = 	snop  }
0x6: {  	_ = 	snop  }
0x7: {  	_ = 	snop  }
__scs_overlays_trampoline_lowered:
0x8: {  	[smem:$0x3FAA] =	sst s0  }
0x9: {  	[smem:$0x3FAB] =	sst s1  }
0xa: {  	[smem:$0x3FAC] =	sst s2  }
0xb: {  	[smem:$0x3FAD] =	sst s3  }
0xc: {  	[smem:$0x3FAE] =	sst s4  }
0xd: {  	[smem:$0x3FAF] =	sst s5  }
0xe: {  	[smem:$0x3FB0] =	sst s6  }
0xf: {  	[smem:$0x3FB1] =	sst s7  }
0x10: {  	[smem:$0x3FB2] =	sst s8  }
0x11: {  	[smem:$0x3FB3] =	sst s9;
	s0 =	simm.s32 @!p0 $0x0  }
0x12: {  	s1 =	sld [smem:$0x3F99];
	s0 =	simm.s32 @p0 $0x1  }
0x13: {  	[smem:$0x3FB4] =	sst s0;
	s0 =	simm.s32 @!p1 $0x0  }
0x14: {  	s2 =	sld [smem:$0x3F98];
	s0 =	simm.s32 @p1 $0x1  }
0x15: {  	[smem:$0x3FB5] =	sst s0;
	s0 =	simm.s32 @!p2 $0x0  }
0x16: {  	s3 =	sld [smem:$0x3FDB];
	s0 =	simm.s32 @p2 $0x1  }
0x17: {  	s4 =	simm.s32 $0x1BF5;
	[smem:$0x3FB7] =	sst s0  }
0x18: {  	s0 =	sld [smem:$0x3F9A];
	_ =	swait.ge [sflag:s4], $0x0  }
0x19: {  	s7 =	sld [smem:$0x3F9B]  }
0x1a: {  	s8 =	sadd.s32 $0xFFFFE003, lr  }
0x1b: {  	s9 =	sadd.s32 $0xFFFFFEF7, lr;
	s5 =	simm.s32 $0xFFFFFFFF;
	p2 =	slt.u32 s8, $0xFFFFF086  }
0x1c: {  	p1 =	slt.u32 s9, $0xF7A;
	s5 =	simm.s32 @!p2 $0x0  }
0x1d: {  	s5 =	simm.s32 @p1 $0x1;
	p0 =	seq.s32 s7, s2  }
0x1e: {  	s7 =	smul.u32 @!p0 $0xF7A, s2;
	p2 =	seq.s32 @!p0 s5, $0x0  }
0x1f: {  	s9 =	smul.u32 $0xF7A, s1;
	s8 =	simm.s32 @!p0 $0x1BF5;
	p2 =	por !p2, p0  }
0x20: {  	[sflag:s8] =	ssyncset.s32 @!p0 $0xFFFFF086;
	s6 =	sadd.s32 @!p0 s3, s7;
	s7 =	simm.s32 @!p0 $0x108  }
0x21: {  	s3 =	sadd.s32 s3, s9;
	s6 =	sadd.s32 @!p0 $0x88, s6;
	s7 =	simm.s32 @p2 $0x1082  }
0x22: {  	[simem:s7], [sflag:s8] =	dma.local @!p0 [hbm:s6], $0xF7A  }
0x23: {  	s9 =	sor.u32 $0xD0000000, s2;
	s6 =	simm.s32 $0x108;
	_ =	swait.ge @!p0 [sflag:s8], $0x0  }
0x24: {  	s3 =	sadd.s32 $0x88, s3;
	s6 =	simm.s32 @!p1 $0x1082;
	[sflag:s4] =	ssyncset.s32 $0xFFFFF086  }
0x25: {  	[simem:s6], [sflag:s4] =	dma.local [hbm:s3], $0xF7A  }
0x26: {  	[smem:$0x3F9B] =	sst s1;
	(tag) =	ssettag s2;
	_ =	strace s9  }
0x27: {  	s1 =	sld [smem:$0x3FAB]  }
0x28: {  	s2 =	sld [smem:$0x3FAC]  }
0x29: {  	s4 =	sld [smem:$0x3FAE]  }
0x2a: {  	p0 =	seq.s32 s5, $0x0;
	s5 =	sld [smem:$0x3FAF]  }
0x2b: {  	s6 =	sld [smem:$0x3FB0]  }
0x2c: {  	s7 =	sld [smem:$0x3FB1]  }
0x2d: {  	s3 =	simm.s32 $0x108;
	s8 =	sld [smem:$0x3FB2]  }
0x2e: {  	s3 =	simm.s32 @!p0 $0x1082;
	s9 =	sld [smem:$0x3FB3]  }
0x2f: {  	lr =	sadd.s32 s0, s3;
	s0 =	sld [smem:$0x3FAA]  }
0x30: {  	s3 =	sld [smem:$0x3FAD]  }
0x31: {  	[smem:$0x3FB6] =	sst s10  }
0x32: {  	s10 =	sld [smem:$0x3FB4];
	_ =	sdelay $0x3  }
0x33: {  	p0 =	seq.s32 s10, $0x1;
	s10 =	sld [smem:$0x3FB6];
	_ =	sdelay $0x3  }
0x34: {  	[smem:$0x3FB6] =	sst s10  }
0x35: {  	s10 =	sld [smem:$0x3FB5];
	_ =	sdelay $0x3  }
0x36: {  	p1 =	seq.s32 s10, $0x1;
	s10 =	sld [smem:$0x3FB6];
	_ =	sdelay $0x3  }
0x37: {  	[smem:$0x3FB6] =	sst s10  }
0x38: {  	s10 =	sld [smem:$0x3FB7]  }
0x39: {  	_ = 	snop;
	(pc) =	sbr.ind lr, $3  }
0x3a: {  	_ = 	snop  }
0x3b: {  	_ = 	snop  }
0x3c: {  	p2 =	seq.s32 s10, $0x1;
	s10 =	sld [smem:$0x3FB6]  }
0x3d: {  	_ =	shalt  }
0x3e: {  	_ =	shalt  }
0x3f: {  	_ =	shalt  }
0x40: {  	_ =	shalt  }
0x41: {  	_ =	shalt  }
0x42: {  	_ =	shalt  }
0x43: {  	_ =	shalt  }
0x44: {  	_ =	shalt  }
0x45: {  	_ =	shalt  }
0x46: {  	_ =	shalt  }
0x47: {  	_ =	shalt  }
0x48: {  	_ =	shalt  }
0x49: {  	_ =	shalt  }
0x4a: {  	_ =	shalt  }
0x4b: {  	_ =	shalt  }
0x4c: {  	_ =	shalt  }
0x4d: {  	_ =	shalt  }
0x4e: {  	_ =	shalt  }
0x4f: {  	_ =	shalt  }
0x50: {  	_ =	shalt  }
0x51: {  	_ =	shalt  }
0x52: {  	_ =	shalt  }
0x53: {  	_ =	shalt  }
0x54: {  	_ =	shalt  }
0x55: {  	_ =	shalt  }
0x56: {  	_ =	shalt  }
0x57: {  	_ =	shalt  }
0x58: {  	_ =	shalt  }
0x59: {  	_ =	shalt  }
0x5a: {  	_ =	shalt  }
0x5b: {  	_ =	shalt  }
0x5c: {  	_ =	shalt  }
0x5d: {  	_ =	shalt  }
0x5e: {  	_ =	shalt  }
0x5f: {  	_ =	shalt  }
0x60: {  	_ =	shalt  }
0x61: {  	_ =	shalt  }
0x62: {  	_ =	shalt  }
0x63: {  	_ =	shalt  }
0x64: {  	_ =	shalt  }
0x65: {  	_ =	shalt  }
0x66: {  	_ =	shalt  }
0x67: {  	_ =	shalt  }
0x68: {  	_ =	shalt  }
0x69: {  	_ =	shalt  }
0x6a: {  	_ =	shalt  }
0x6b: {  	_ =	shalt  }
0x6c: {  	_ =	shalt  }
0x6d: {  	_ =	shalt  }
0x6e: {  	_ =	shalt  }
0x6f: {  	_ =	shalt  }
0x70: {  	_ =	shalt  }
0x71: {  	_ =	shalt  }
0x72: {  	_ =	shalt  }
0x73: {  	_ =	shalt  }
0x74: {  	_ =	shalt  }
0x75: {  	_ =	shalt  }
0x76: {  	_ =	shalt  }
0x77: {  	_ =	shalt  }
0x78: {  	_ =	shalt  }
0x79: {  	_ =	shalt  }
0x7a: {  	_ =	shalt  }
0x7b: {  	_ =	shalt  }
0x7c: {  	_ =	shalt  }
0x7d: {  	_ =	shalt  }
0x7e: {  	_ =	shalt  }
0x7f: {  	_ =	shalt  }
0x80: {  	_ =	shalt  }
0x81: {  	_ =	shalt  }
0x82: {  	_ =	shalt  }
0x83: {  	_ =	shalt  }
0x84: {  	_ =	shalt  }
0x85: {  	_ =	shalt  }
0x86: {  	_ =	shalt  }
0x87: {  	_ =	shalt  }
.Lfunc_end0:
.L_simem_size_0:
called_computation.1_lowered:
.L_overlay_start_0:
0x88: {  	s2 =	sld [smem:$0x3FD9]  }
0x89: {  	s3 =	sld [smem:$0x3FFE];
	_ =	sdelay $0x1  }
0x8a: {  	s1 =	srdreg.scid  }
0x8b: {  	s0 =	sand.u32 $0x1, s1  }
0x8c: {  	s17 =	sshll.u32 s0, $0xA;
	s2 =	sadd.s32 s3, s2  }
0x8d: {  	s2 =	sadd.s32 s2, s17  }
0x8e: {  	[smem:$0x3FC2] =	sst s2  }
0x8f: {  	_ = 	snop  }
0x90: {  	s2 =	sld [smem:$0x3FD0];
	(tm) =	ssettm $0x1  }
0x91: {  	s18 =	sld [smem:$0x3FFB];
	_ =	sdelay $0x3  }
0x92: {  	_ =	strace s18  }
0x93: {  	s3 =	sld [smem:$0x3FFC];
	_ =	sdelay $0x3  }
0x94: {  	_ =	strace s3  }
0x95: {  	s3 =	sld [smem:$0x3FFD];
	_ =	sdelay $0x3  }
0x96: {  	_ =	strace s3  }
0x97: {  	_ =	strace $0x8FFFFFFF  }
0x98: {  	s19 =	sld [smem:$0x3FDB];
	_ =	sdelay $0x1  }
0x99: {  	s4 =	simm.s32 $_scs_section_size  }
0x9a: {  	s5 =	simm.s32 $_size__tile_overlayer_lowered;
	s6 =	simm.s32 $_tile_overlayer_lowered  }
0x9b: {  	s22 =	simm.s32 $0x1BFF;
	s21 =	sshll.u32 s6, $0x1;
	s3 =	sadd.s32 s4, s19  }
0x9c: {  	s7 =	simm.s32 $0x0;
	s20 =	sshll.u32 s5, $0x1;
	s5 =	sadd.s32 s21, s3  }
0x9d: {  	[timem:s7], [sflag:s22] =	dma.local [hbm:s5], s20  }
0x9e: {  	_ =	swait.ge [sflag:s22], s20  }
0x9f: {  	s4 =	ssub.s32 $0x0, s20;
	[sflag:s22] =	ssyncset.done $0x0  }
0xa0: {  	[sflag:s22] =	ssyncadd.s32 s4;
	_ =	sdelay $0x1  }
0xa1: {  	s23 =	simm.s32 $0x1B8B  }
0xa2: {  	_ =	swait.ge [sflag:s23], $0x1  }
0xa3: {  	[sflag:s23] =	ssyncset.done $0x0  }
0xa4: {  	s25 =	simm.s32 $0x1B8E;
	s24 =	sld [smem:$0x3FFE];
	[sflag:s23] =	ssyncadd.s32 $0xFFFFFFFF  }
0xa5: {  	s26 =	simm.s32 $execute0_lowered;
	[smem:$0x3FD2] =	sst s25  }
0xa6: {  	s5 =	sshll.u32 s26, $0x1;
	_ =	strace $0x80000049;
	[dreg:$0x1] =	wrdreg $0xFFFFFFFF  }
0xa7: {  	s28 =	simm.s32 $_size_execute0_lowered;
	s3 =	sadd.s32 s3, s5;
	[dreg:$0x0] =	wrdreg $0x0  }
0xa8: {  	s5 =	sshll.u32 s28, $0x1;
	[dreg:$0x2] =	wrdreg s3  }
0xa9: {  	[dreg:$0x3] =	wrdreg s5  }
0xaa: {  	[dreg:$0x4] =	wrdreg $0xC0  }
0xab: {  	_ =	task [dreg:s7], $0x5FFFF  }
0xac: {  	[dreg:$0x1] =	wrdreg $0xFFFFFFFF  }
0xad: {  	[dreg:$0x0] =	wrdreg $0x60  }
0xae: {  	[dreg:$0x2] =	wrdreg s2  }
0xaf: {  	[dreg:$0x3] =	wrdreg s24  }
0xb0: {  	[dreg:$0x4] =	wrdreg $0xC6200  }
0xb1: {  	[dreg:$0x5] =	wrdreg $0x9  }
0xb2: {  	_ =	task.clear_ibuf [dreg:s7], $0x6FFFF;
	_ =	strace $0x90000049  }
0xb3: {  	s29 =	simm.s32 $0x9;
	_ =	strace $0x8000004B  }
0xb4: {  	_ =	swait.ge [sflag:s29], $0x1  }
0xb5: {  	[sflag:s29] =	ssyncadd.s32 $0xFFFFFFFF  }
0xb6: {  	_ =	strace $0x9000004B  }
0xb7: {  	_ =	sfence  }
0xb8: {  	s30 =	sld [smem:$0x0];
	_ =	sdelay $0x2  }
0xb9: {  	s31 =	sshll.u32 s1, $0xD;
	s1 =	sshrl.u32 s1, $0x2  }
0xba: {  	s3 =	sand.u32 $0x4000, s31;
	s1 =	sadd.s32 s1, s30  }
0xbb: {  	s0 =	sor.u32 s3, s0;
	s1 =	sshll.u32 s1, $0x11  }
0xbc: {  	s0 =	sor.u32 s1, s0  }
0xbd: {  	s0 =	sadd.s32 $0x8F2B, s0  }
0xbe: {  	[sflag:s0] =	ssyncadd.remote.s32 $0x1  }
0xbf: {  	_ =	sfence.sel $0xFFFF  }
0xc0: {  	[dreg:$0x0] =	wrdreg $0xFFFFFFFF;
	(pc) =	sbr.abs _section_cstart, $3  }
0xc1: {  	[dreg:$0x1] =	wrdreg $0xFFFFFFFF  }
0xc2: {  	_ =	task.clear_ibuf [dreg:s7], $0x2FFFF;
	_ =	strace $0x9FFFFFFF  }
0xc3: {  	(tm) =	ssettm $0x7FFFFFFF  }
tec
execute0_lowered:
.L_overlay_start_1:
0x0: {  	(tag) =	ssettag $0x1  }
0x1: {  	s1 =	rddreg [dreg:$0x0]  }
0x2: {  	s0 =	srdreg.scid;
	s5 =	rddreg [dreg:$0x1]  }
0x3: {  	s8 =	stileid.u32;
	s3 =	rddreg [dreg:$0x2]  }
0x4: {  	s4 =	simm.s32 $0x0;
	s17 =	simm.s32 $0x4E20;
	s18 =	simm.s32 $0x2710  }
0x5: {  	s19 =	simm.s32 $0x4;
	s20 =	simm.s32 $0x5;
	s21 =	simm.s32 $0x1  }
0x6: {  	s22 =	simm.s32 $0x2;
	s23 =	simm.s32 $0x50;
	s24 =	simm.s32 $0x7620  }
0x7: {  	s30 =	simm.s32 $0x3;
	s28 =	simm.s32 $0x4DD0;
	s29 =	simm.s32 $0x7  }
0x8: {  	s0 =	sand.u32 $0x1, s0;
	s6 =	smul.u32 $0x13880, s8;
	[smem:$0x7FF] =	sst s4  }
0x9: {  	s2 =	sshll.u32 s0, $0x4;
	s7 =	smul.u32 $0x138800, s0;
	_ =	strace $0x8000004A  }
0xa: {  	s0 =	ssub.s32 $0x2, s0;
	s2 =	sor.u32 s8, s2;
	s8 =	smul.u32 $0x4E200, s8  }
0xb: {  	s26 =	sshrl.u32 s0, $0x1;
	s2 =	smul.u32 $0x2710, s2;
	s7 =	sadd.s32 s6, s7  }
0xc: {  	s0 =	ssub.s32 s0, s26;
	s26 =	simm.s32 $0x9E20;
	s7 =	sshrl.u32 s7, $0x3  }
0xd: {  	s31 =	sshrl.u32 s8, $0x2;
	s16 =	smax.u32 s0, $0x1;
	s2 =	sshrl.u32 s2, $0x3  }
0xe: {  	s15 =	sadd.s32 s7, s5;
	s12 =	sadd.s32 s31, s3;
	s2 =	sadd.s32 s2, s5  }
0xf: {  	s5 =	sadd.s32 s6, s3;
	s6 =	sadd.s32 $0x2800, s12;
	s7 =	sadd.s32 $0x5000, s12  }
0x10: {  	s8 =	sadd.s32 $0x7800, s12;
	s9 =	sadd.s32 $0xA000, s12;
	s10 =	sadd.s32 $0xC800, s12  }
0x11: {  	s11 =	sadd.s32 $0xF000, s12;
	s12 =	sadd.s32 $0x11800, s12;
	s15 =	sadd.s32 $0x15E00, s15  }
0x12: {  	v0 =	vimm.f32 $0.0e+00;
	s13 =	sadd.s32 $0x2400, s2;
	s14 =	sadd.s32 $0xC040, s2;
	s2 =	simm.s32 $0x6  }
.LBB2_1:
0x13: {  	s31 =	simm.s32 $0x0;
	s0 =	simm.s32 $0x200  }
.LBB2_2:
0x14: {  	p0 =	sne.s32 s0, $0x9E00;
	[tilespmem:s31+$0x4E90] =	vst v0  }
0x15: {  	[tilespmem:s31+$0x4E20] =	vst v0  }
0x16: {  	[tilespmem:s31+$0x4E30] =	vst v0  }
.Ltmp0:
0x17: {  	[tilespmem:s31+$0x4E40] =	vst v0;
	(pc) =	sbr.rel @p0 .LBB2_2-.Ltmp0, $4  }
0x18: {  	[tilespmem:s31+$0x4E50] =	vst v0  }
0x19: {  	[tilespmem:s31+$0x4E60] =	vst v0  }
0x1a: {  	[tilespmem:s31+$0x4E70] =	vst v0  }
0x1b: {  	[tilespmem:s31+$0x4E80] =	vst v0;
	s31 =	sshra.s32 s0, $0x2;
	s0 =	sadd.s32 $0x200, s0  }
0x1c: {  	[tilespmem:s31+$0x4E90] =	vst v0  }
0x1d: {  	[tilespmem:s31+$0x4E20] =	vst v0  }
0x1e: {  	[tilespmem:s31+$0x4E30] =	vst v0  }
0x1f: {  	[tilespmem:s31+$0x4E40] =	vst v0  }
0x20: {  	[tilespmem:s31+$0x4E50] =	vst v0  }
0x21: {  	[tilespmem:s31+$0x4E60] =	vst v0  }
0x22: {  	[tilespmem:s31+$0x4E70] =	vst v0  }
0x23: {  	[tilespmem:s31+$0x4E80] =	vst v0  }
0x24: {  	[spmem:s5] =	stream.linear.scatter [tilespmem:s17], [sflag:$0x4], $0x2800, $0x38;
	[tilespmem:$0x1FEA0] =	vst v63  }
0x25: {  	_ = 	snop  }
0x26: {  	[spmem:s6] =	stream.linear.scatter [tilespmem:s17], [sflag:$0x4], $0x2800, $0x38;
	[tilespmem:$0x1FEA0] =	vst v63  }
0x27: {  	_ = 	snop  }
0x28: {  	[spmem:s7] =	stream.linear.scatter [tilespmem:s17], [sflag:$0x4], $0x2800, $0x38;
	[tilespmem:$0x1FEA0] =	vst v63  }
0x29: {  	_ = 	snop  }
0x2a: {  	[spmem:s8] =	stream.linear.scatter [tilespmem:s17], [sflag:$0x4], $0x2800, $0x38;
	[tilespmem:$0x1FEA0] =	vst v63  }
0x2b: {  	_ = 	snop  }
0x2c: {  	[spmem:s9] =	stream.linear.scatter [tilespmem:s17], [sflag:$0x4], $0x2800, $0x38;
	[tilespmem:$0x1FEA0] =	vst v63  }
0x2d: {  	_ = 	snop  }
0x2e: {  	[spmem:s10] =	stream.linear.scatter [tilespmem:s17], [sflag:$0x4], $0x2800, $0x38;
	[tilespmem:$0x1FEA0] =	vst v63  }
0x2f: {  	_ = 	snop  }
0x30: {  	[spmem:s11] =	stream.linear.scatter [tilespmem:s17], [sflag:$0x4], $0x2800, $0x38;
	[tilespmem:$0x1FEA0] =	vst v63  }
0x31: {  	_ = 	snop  }
0x32: {  	[spmem:s12] =	stream.linear.scatter [tilespmem:s17], [sflag:$0x5], $0x2080, $0x38;
	[tilespmem:$0x1FEA0] =	vst v63  }
0x33: {  	s0 =	simm.s32 $0x0  }
0x34: {  	[tilespmem:s0], [sflag:$0x1] =	stream.linear.gather [hbm4b:s13+s0], $0x2710, $0x38;
	[tilespmem:$0x1FEA0] =	vst v63  }
0x35: {  	_ = 	snop  }
0x36: {  	[tilespmem:s18], [sflag:$0x2] =	stream.linear.gather [hbm4b:s14+s0], $0x2710, $0x38;
	[tilespmem:$0x1FEA0] =	vst v63  }
0x37: {  	_ =	swait.ge [sflag:s19], $0x2800  }
0x38: {  	[sflag:s19] =	ssyncset.done $0x0  }
0x39: {  	[sflag:s19] =	ssyncadd.s32 $0xFFFFD800  }
0x3a: {  	_ =	swait.ge [sflag:s19], $0x2800  }
0x3b: {  	[sflag:s19] =	ssyncset.done $0x0  }
0x3c: {  	[sflag:s19] =	ssyncadd.s32 $0xFFFFD800  }
0x3d: {  	_ =	swait.ge [sflag:s19], $0x2800  }
0x3e: {  	[sflag:s19] =	ssyncset.done $0x0  }
0x3f: {  	[sflag:s19] =	ssyncadd.s32 $0xFFFFD800  }
0x40: {  	_ =	swait.ge [sflag:s19], $0x2800  }
0x41: {  	[sflag:s19] =	ssyncset.done $0x0  }
0x42: {  	[sflag:s19] =	ssyncadd.s32 $0xFFFFD800  }
0x43: {  	_ =	swait.ge [sflag:s19], $0x2800  }
0x44: {  	[sflag:s19] =	ssyncset.done $0x0  }
0x45: {  	[sflag:s19] =	ssyncadd.s32 $0xFFFFD800  }
0x46: {  	_ =	swait.ge [sflag:s19], $0x2800  }
0x47: {  	[sflag:s19] =	ssyncset.done $0x0  }
0x48: {  	[sflag:s19] =	ssyncadd.s32 $0xFFFFD800  }
0x49: {  	_ =	swait.ge [sflag:s19], $0x2800  }
0x4a: {  	[sflag:s19] =	ssyncset.done $0x0  }
0x4b: {  	[sflag:s19] =	ssyncadd.s32 $0xFFFFD800  }
0x4c: {  	_ =	swait.ge [sflag:s20], $0x2080  }
0x4d: {  	[sflag:s20] =	ssyncset.done $0x0  }
0x4e: {  	[sflag:s20] =	ssyncadd.s32 $0xFFFFDF80  }
0x4f: {  	_ =	swait.ge [sflag:s21], $0x2710  }
0x50: {  	[sflag:s21] =	ssyncset.done $0x0  }
0x51: {  	[sflag:s21] =	ssyncadd.s32 $0xFFFFD8F0  }
0x52: {  	_ =	swait.ge [sflag:s22], $0x2710  }
0x53: {  	[sflag:s22] =	ssyncset.done $0x0  }
0x54: {  	[sflag:s22] =	ssyncadd.s32 $0xFFFFD8F0  }
0x55: {  	[bflag:$0x0] =	sbarrier.arrive $0xFFFF  }
0x56: {  	[tilespmem:s17], [sflag:$0x1] =	stream.indirect.gather [hbm4b:s1+s23], $0x80, s0, s23, $0xb8;
	[tilespmem:$0x1FEA0] =	vst v63  }
0x57: {  	_ = 	snop  }
0x58: {  	[tilespmem:s24], [sflag:$0x2] =	stream.indirect.gather [hbm4b:s1+s23], $0x80, s23, s23, $0xb8;
	[tilespmem:$0x1FEA0] =	vst v63  }
0x59: {  	_ =	swait.ge [sflag:s21], $0x2800  }
0x5a: {  	[sflag:s21] =	ssyncset.done $0x0  }
0x5b: {  	[sflag:s21] =	ssyncadd.s32 $0xFFFFD800  }
0x5c: {  	[spmem:s3] =	stream.indirect.scatter.add.f32 [tilespmem:s17], [sflag:$0x4], $0x80, s18, s23, $0xb8;
	[tilespmem:$0x1FEA0] =	vst v63  }
0x5d: {  	s25 =	simm.s32 $0xA0  }
0x5e: {  	[tilespmem:s26], [sflag:$0x3] =	stream.indirect.gather [hbm4b:s1+s23], $0x80, s25, s23, $0xb8;
	[tilespmem:$0x1FEA0] =	vst v63  }
0x5f: {  	_ =	swait.ge [sflag:s22], $0x2800  }
0x60: {  	[sflag:s22] =	ssyncset.done $0x0  }
0x61: {  	s25 =	simm.s32 $0x2760;
	[sflag:s22] =	ssyncadd.s32 $0xFFFFD800  }
0x62: {  	[spmem:s3] =	stream.indirect.scatter.add.f32 [tilespmem:s24], [sflag:$0x5], $0x80, s25, s23, $0xb8;
	[tilespmem:$0x1FEA0] =	vst v63  }
0x63: {  	_ =	swait.ge [sflag:s19], $0x2800  }
0x64: {  	[sflag:s19] =	ssyncset.done $0x0  }
0x65: {  	s25 =	simm.s32 $0xF0;
	[sflag:s19] =	ssyncadd.s32 $0xFFFFD800  }
0x66: {  	[tilespmem:s17], [sflag:$0x1] =	stream.indirect.gather [hbm4b:s1+s23], $0x80, s25, s23, $0xb8;
	[tilespmem:$0x1FEA0] =	vst v63  }
0x67: {  	_ =	swait.ge [sflag:s30], $0x2800  }
0x68: {  	[sflag:s30] =	ssyncset.done $0x0  }
0x69: {  	s25 =	simm.s32 $0x27B0;
	[sflag:s30] =	ssyncadd.s32 $0xFFFFD800  }
0x6a: {  	[spmem:s3] =	stream.indirect.scatter.add.f32 [tilespmem:s26], [sflag:$0x6], $0x80, s25, s23, $0xb8;
	[tilespmem:$0x1FEA0] =	vst v63  }
0x6b: {  	_ =	swait.ge [sflag:s20], $0x2800  }
0x6c: {  	[sflag:s20] =	ssyncset.done $0x0  }
0x6d: {  	s25 =	simm.s32 $0x140;
	[sflag:s20] =	ssyncadd.s32 $0xFFFFD800  }
0x6e: {  	[tilespmem:s24], [sflag:$0x2] =	stream.indirect.gather [hbm4b:s1+s23], $0x80, s25, s23, $0xb8;
	[tilespmem:$0x1FEA0] =	vst v63  }
0x6f: {  	_ =	swait.ge [sflag:s21], $0x2800  }
0x70: {  	[sflag:s21] =	ssyncset.done $0x0  }
0x71: {  	s25 =	simm.s32 $0x2800;
	[sflag:s21] =	ssyncadd.s32 $0xFFFFD800  }
0x72: {  	[spmem:s3] =	stream.indirect.scatter.add.f32 [tilespmem:s17], [sflag:$0x4], $0x80, s25, s23, $0xb8;
	[tilespmem:$0x1FEA0] =	vst v63  }
0x73: {  	_ =	swait.ge [sflag:s2], $0x2800  }
0x74: {  	[sflag:s2] =	ssyncset.done $0x0  }
0x75: {  	s25 =	simm.s32 $0x190;
	[sflag:s2] =	ssyncadd.s32 $0xFFFFD800  }
0x76: {  	[tilespmem:s26], [sflag:$0x3] =	stream.indirect.gather [hbm4b:s1+s23], $0x80, s25, s23, $0xb8;
	[tilespmem:$0x1FEA0] =	vst v63  }
0x77: {  	_ =	swait.ge [sflag:s22], $0x2800  }
0x78: {  	[sflag:s22] =	ssyncset.done $0x0  }
0x79: {  	s25 =	simm.s32 $0x2850;
	[sflag:s22] =	ssyncadd.s32 $0xFFFFD800  }
0x7a: {  	[spmem:s3] =	stream.indirect.scatter.add.f32 [tilespmem:s24], [sflag:$0x5], $0x80, s25, s23, $0xb8;
	[tilespmem:$0x1FEA0] =	vst v63  }
0x7b: {  	_ =	swait.ge [sflag:s19], $0x2800  }
0x7c: {  	[sflag:s19] =	ssyncset.done $0x0  }
0x7d: {  	s25 =	simm.s32 $0x1E0;
	[sflag:s19] =	ssyncadd.s32 $0xFFFFD800  }
0x7e: {  	[tilespmem:s17], [sflag:$0x1] =	stream.indirect.gather [hbm4b:s1+s23], $0x80, s25, s23, $0xb8;
	[tilespmem:$0x1FEA0] =	vst v63  }
0x7f: {  	_ =	swait.ge [sflag:s30], $0x2800  }
0x80: {  	[sflag:s30] =	ssyncset.done $0x0  }
0x81: {  	s31 =	simm.s32 $0x3C0;
	s0 =	simm.s32 $0x28A0;
	[sflag:s30] =	ssyncadd.s32 $0xFFFFD800  }
.LBB2_4:
0x82: {  	[spmem:s3] =	stream.indirect.scatter.add.f32 [tilespmem:s26], [sflag:$0x6], $0x80, s0, s23, $0xb8;
	[tilespmem:$0x1FEA0] =	vst v63  }
0x83: {  	s0 =	smov.u32 s31  }
0x84: {  	p0 =	sne.s32 s31, $0x9240;
	s31 =	sadd.s32 $0x3C0, s31;
	_ =	swait.ge [sflag:s20], $0x2800  }
0x85: {  	s0 =	sshra.s32 s0, $0x2;
	[sflag:s20] =	ssyncset.done $0x0  }
0x86: {  	s25 =	sadd.s32 $0x140, s0;
	[sflag:s20] =	ssyncadd.s32 $0xFFFFD800  }
0x87: {  	[tilespmem:s24], [sflag:$0x2] =	stream.indirect.gather [hbm4b:s1+s23], $0x80, s25, s23, $0xb8;
	[tilespmem:$0x1FEA0] =	vst v63  }
0x88: {  	_ =	swait.ge [sflag:s21], $0x2800  }
0x89: {  	[sflag:s21] =	ssyncset.done $0x0  }
0x8a: {  	s25 =	sadd.s32 $0x2800, s0;
	[sflag:s21] =	ssyncadd.s32 $0xFFFFD800  }
0x8b: {  	[spmem:s3] =	stream.indirect.scatter.add.f32 [tilespmem:s17], [sflag:$0x4], $0x80, s25, s23, $0xb8;
	[tilespmem:$0x1FEA0] =	vst v63  }
0x8c: {  	_ =	swait.ge [sflag:s2], $0x2800  }
0x8d: {  	[sflag:s2] =	ssyncset.done $0x0  }
0x8e: {  	s25 =	sadd.s32 $0x190, s0;
	[sflag:s2] =	ssyncadd.s32 $0xFFFFD800  }
0x8f: {  	[tilespmem:s26], [sflag:$0x3] =	stream.indirect.gather [hbm4b:s1+s23], $0x80, s25, s23, $0xb8;
	[tilespmem:$0x1FEA0] =	vst v63  }
0x90: {  	_ =	swait.ge [sflag:s22], $0x2800  }
0x91: {  	[sflag:s22] =	ssyncset.done $0x0  }
0x92: {  	s25 =	sadd.s32 $0x2850, s0;
	[sflag:s22] =	ssyncadd.s32 $0xFFFFD800  }
0x93: {  	[spmem:s3] =	stream.indirect.scatter.add.f32 [tilespmem:s24], [sflag:$0x5], $0x80, s25, s23, $0xb8;
	[tilespmem:$0x1FEA0] =	vst v63  }
0x94: {  	_ =	swait.ge [sflag:s19], $0x2800  }
0x95: {  	[sflag:s19] =	ssyncset.done $0x0  }
.Ltmp1:
0x96: {  	s25 =	sadd.s32 $0x1E0, s0;
	[sflag:s19] =	ssyncadd.s32 $0xFFFFD800;
	(pc) =	sbr.rel @p0 .LBB2_4-.Ltmp1, $4  }
0x97: {  	[tilespmem:s17], [sflag:$0x1] =	stream.indirect.gather [hbm4b:s1+s23], $0x80, s25, s23, $0xb8;
	[tilespmem:$0x1FEA0] =	vst v63  }
0x98: {  	_ =	swait.ge [sflag:s30], $0x2800  }
0x99: {  	[sflag:s30] =	ssyncset.done $0x0  }
0x9a: {  	s0 =	sadd.s32 $0x28A0, s0;
	[sflag:s30] =	ssyncadd.s32 $0xFFFFD800  }
0x9b: {  	[spmem:s3] =	stream.indirect.scatter.add.f32 [tilespmem:s26], [sflag:$0x6], $0x80, s0, s23, $0xb8;
	[tilespmem:$0x1FEA0] =	vst v63  }
0x9c: {  	_ =	swait.ge [sflag:s20], $0x2800  }
0x9d: {  	[sflag:s20] =	ssyncset.done $0x0  }
0x9e: {  	s31 =	simm.s32 $0x26C0;
	[sflag:s20] =	ssyncadd.s32 $0xFFFFD800  }
0x9f: {  	[tilespmem:s24], [sflag:$0x2] =	stream.indirect.gather [hbm4b:s1+s23], $0x80, s31, s23, $0xb8;
	[tilespmem:$0x1FEA0] =	vst v63  }
0xa0: {  	_ =	swait.ge [sflag:s21], $0x2800  }
0xa1: {  	[sflag:s21] =	ssyncset.done $0x0  }
0xa2: {  	s25 =	simm.s32 $0x4D80;
	[sflag:s21] =	ssyncadd.s32 $0xFFFFD800  }
0xa3: {  	[spmem:s3] =	stream.indirect.scatter.add.f32 [tilespmem:s17], [sflag:$0x4], $0x80, s25, s23, $0xb8;
	[tilespmem:$0x1FEA0] =	vst v63  }
0xa4: {  	_ =	swait.ge [sflag:s22], $0x2800  }
0xa5: {  	[sflag:s22] =	ssyncset.done $0x0  }
0xa6: {  	[sflag:s22] =	ssyncadd.s32 $0xFFFFD800  }
0xa7: {  	[spmem:s3] =	stream.indirect.scatter.add.f32 [tilespmem:s24], [sflag:$0x5], $0x80, s28, s23, $0xb8;
	[tilespmem:$0x1FEA0] =	vst v63  }
0xa8: {  	_ =	swait.ge [sflag:s2], $0x2800  }
0xa9: {  	[sflag:s2] =	ssyncset.done $0x0  }
0xaa: {  	[sflag:s2] =	ssyncadd.s32 $0xFFFFD800  }
0xab: {  	_ =	swait.ge [sflag:s19], $0x2800  }
0xac: {  	[sflag:s19] =	ssyncset.done $0x0  }
0xad: {  	[sflag:s19] =	ssyncadd.s32 $0xFFFFD800  }
0xae: {  	s31 =	stileid.u32;
	_ =	swait.ge [sflag:s20], $0x2800  }
0xaf: {  	s4 =	sadd.s32 $0x1, s4;
	s0 =	sshll.u32 s31, $0x6;
	[sflag:s20] =	ssyncset.done $0x0  }
0xb0: {  	p0 =	sne.s32 s4, s16;
	s0 =	sor.u32 $0x1C07, s0;
	[sflag:s20] =	ssyncadd.s32 $0xFFFFD800  }
.Ltmp2:
0xb1: {  	s25 =	sshrl.u32 s5, $0x3;
	[bflag:$0x0] =	sbarrier.arrive $0xFFFF;
	(pc) =	sbr.rel @p0 .LBB2_1-.Ltmp2, $4  }
0xb2: {  	[hbm:s15], [sflag:s0] =	dma.local [spmem:s25], $0x2710  }
0xb3: {  	_ =	swait.ge [sflag:s29], $0x2710  }
0xb4: {  	[sflag:s29] =	ssyncset.done $0x0  }
0xb5: {  	[sflag:s29] =	ssyncadd.s32 $0xFFFFD8F0  }
0xb6: {  	_ =	sfence.sel $0x180000  }
0xb7: {  	[bflag:$0x0] =	sbarrier.arrive $0xFFFF  }
0xb8: {  	_ =	strace $0x9000004A  }
0xb9: {  	s0 =	stileid.u32;
	[bflag:$0x2] =	sbarrier.arrive $0xFFFF  }
0xba: {  	p0 =	sne.s32 s0, $0x0;
	s0 =	rddreg [dreg:$0x3]  }
0xbb: {  	s0 =	sadd.s32 @!p0 $0x100000, s0  }
0xbc: {  	[sflag:s0] =	ssyncadd.tile.s32 @!p0 $0x1;
	_ =	shalt  }
.Lfunc_end2:
_tile_overlayer_lowered:
.L_overlay_start_2:
0xbd: {  	(tag) =	ssettag $0x2  }
0xbe: {  	s0 =	rddreg [dreg:$0x0];
	s2 =	stileid.u32  }
0xbf: {  	s1 =	rddreg [dreg:$0x1];
	p0 =	sne.s32 s2, $0x0  }
0xc0: {  	s3 =	rddreg [dreg:$0x2];
	[bflag:$0x3] =	sbarrier.arrive $0xFFFF;
	s2 =	simm.s32 @!p0 $0x1C07  }
0xc1: {  	[timem:s3], [sflag:s2] =	dma.local @!p0 [hbm:s0], s1  }
0xc2: {  	s0 =	simm.s32 @!p0 $0x7  }
0xc3: {  	_ =	swait.ge @!p0 [sflag:s0], s1  }
0xc4: {  	s1 =	ssub.s32 @!p0 $0x0, s1;
	[sflag:s0] =	ssyncset.done @!p0 $0x0  }
0xc5: {  	[sflag:s0] =	ssyncadd.s32 @!p0 s1  }
0xc6: {  	[bflag:$0x3] =	sbarrier.arrive $0xFFFF  }
0xc7: {  	_ =	shalt  }

// kernel: kernel.15.cloned.1.call-start
scs
__scs_entry_jumppad:
0x0: {  	(pc) =	sbr.rel $0x88, $3  }
0x1: {  	(tag) =	ssettag $0x0;
	lr =	simm.s32 $0x1  }
0x2: {  	[smem:$0x3F9B] =	sst lr;
	_ =	strace $0xD0000000  }
0x3: {  	_ = 	snop  }
0x4: {  	_ = 	snop  }
0x5: {  	_ = 	snop  }
0x6: {  	_ = 	snop  }
0x7: {  	_ = 	snop  }
__scs_overlays_trampoline_lowered:
0x8: {  	[smem:$0x3FAA] =	sst s0  }
0x9: {  	[smem:$0x3FAB] =	sst s1  }
0xa: {  	[smem:$0x3FAC] =	sst s2  }
0xb: {  	[smem:$0x3FAD] =	sst s3  }
0xc: {  	[smem:$0x3FAE] =	sst s4  }
0xd: {  	[smem:$0x3FAF] =	sst s5  }
0xe: {  	[smem:$0x3FB0] =	sst s6  }
0xf: {  	[smem:$0x3FB1] =	sst s7  }
0x10: {  	[smem:$0x3FB2] =	sst s8  }
0x11: {  	[smem:$0x3FB3] =	sst s9;
	s0 =	simm.s32 @!p0 $0x0  }
0x12: {  	s1 =	sld [smem:$0x3F99];
	s0 =	simm.s32 @p0 $0x1  }
0x13: {  	[smem:$0x3FB4] =	sst s0;
	s0 =	simm.s32 @!p1 $0x0  }
0x14: {  	s2 =	sld [smem:$0x3F98];
	s0 =	simm.s32 @p1 $0x1  }
0x15: {  	[smem:$0x3FB5] =	sst s0;
	s0 =	simm.s32 @!p2 $0x0  }
0x16: {  	s3 =	sld [smem:$0x3FDB];
	s0 =	simm.s32 @p2 $0x1  }
0x17: {  	s4 =	simm.s32 $0x1BF5;
	[smem:$0x3FB7] =	sst s0  }
0x18: {  	s0 =	sld [smem:$0x3F9A];
	_ =	swait.ge [sflag:s4], $0x0  }
0x19: {  	s7 =	sld [smem:$0x3F9B]  }
0x1a: {  	s8 =	sadd.s32 $0xFFFFE003, lr  }
0x1b: {  	s9 =	sadd.s32 $0xFFFFFEF7, lr;
	s5 =	simm.s32 $0xFFFFFFFF;
	p2 =	slt.u32 s8, $0xFFFFF086  }
0x1c: {  	p1 =	slt.u32 s9, $0xF7A;
	s5 =	simm.s32 @!p2 $0x0  }
0x1d: {  	s5 =	simm.s32 @p1 $0x1;
	p0 =	seq.s32 s7, s2  }
0x1e: {  	s7 =	smul.u32 @!p0 $0xF7A, s2;
	p2 =	seq.s32 @!p0 s5, $0x0  }
0x1f: {  	s9 =	smul.u32 $0xF7A, s1;
	s8 =	simm.s32 @!p0 $0x1BF5;
	p2 =	por !p2, p0  }
0x20: {  	[sflag:s8] =	ssyncset.s32 @!p0 $0xFFFFF086;
	s6 =	sadd.s32 @!p0 s3, s7;
	s7 =	simm.s32 @!p0 $0x108  }
0x21: {  	s3 =	sadd.s32 s3, s9;
	s6 =	sadd.s32 @!p0 $0x88, s6;
	s7 =	simm.s32 @p2 $0x1082  }
0x22: {  	[simem:s7], [sflag:s8] =	dma.local @!p0 [hbm:s6], $0xF7A  }
0x23: {  	s9 =	sor.u32 $0xD0000000, s2;
	s6 =	simm.s32 $0x108;
	_ =	swait.ge @!p0 [sflag:s8], $0x0  }
0x24: {  	s3 =	sadd.s32 $0x88, s3;
	s6 =	simm.s32 @!p1 $0x1082;
	[sflag:s4] =	ssyncset.s32 $0xFFFFF086  }
0x25: {  	[simem:s6], [sflag:s4] =	dma.local [hbm:s3], $0xF7A  }
0x26: {  	[smem:$0x3F9B] =	sst s1;
	(tag) =	ssettag s2;
	_ =	strace s9  }
0x27: {  	s1 =	sld [smem:$0x3FAB]  }
0x28: {  	s2 =	sld [smem:$0x3FAC]  }
0x29: {  	s4 =	sld [smem:$0x3FAE]  }
0x2a: {  	p0 =	seq.s32 s5, $0x0;
	s5 =	sld [smem:$0x3FAF]  }
0x2b: {  	s6 =	sld [smem:$0x3FB0]  }
0x2c: {  	s7 =	sld [smem:$0x3FB1]  }
0x2d: {  	s3 =	simm.s32 $0x108;
	s8 =	sld [smem:$0x3FB2]  }
0x2e: {  	s3 =	simm.s32 @!p0 $0x1082;
	s9 =	sld [smem:$0x3FB3]  }
0x2f: {  	lr =	sadd.s32 s0, s3;
	s0 =	sld [smem:$0x3FAA]  }
0x30: {  	s3 =	sld [smem:$0x3FAD]  }
0x31: {  	[smem:$0x3FB6] =	sst s10  }
0x32: {  	s10 =	sld [smem:$0x3FB4];
	_ =	sdelay $0x3  }
0x33: {  	p0 =	seq.s32 s10, $0x1;
	s10 =	sld [smem:$0x3FB6];
	_ =	sdelay $0x3  }
0x34: {  	[smem:$0x3FB6] =	sst s10  }
0x35: {  	s10 =	sld [smem:$0x3FB5];
	_ =	sdelay $0x3  }
0x36: {  	p1 =	seq.s32 s10, $0x1;
	s10 =	sld [smem:$0x3FB6];
	_ =	sdelay $0x3  }
0x37: {  	[smem:$0x3FB6] =	sst s10  }
0x38: {  	s10 =	sld [smem:$0x3FB7]  }
0x39: {  	_ = 	snop;
	(pc) =	sbr.ind lr, $3  }
0x3a: {  	_ = 	snop  }
0x3b: {  	_ = 	snop  }
0x3c: {  	p2 =	seq.s32 s10, $0x1;
	s10 =	sld [smem:$0x3FB6]  }
0x3d: {  	_ =	shalt  }
0x3e: {  	_ =	shalt  }
0x3f: {  	_ =	shalt  }
0x40: {  	_ =	shalt  }
0x41: {  	_ =	shalt  }
0x42: {  	_ =	shalt  }
0x43: {  	_ =	shalt  }
0x44: {  	_ =	shalt  }
0x45: {  	_ =	shalt  }
0x46: {  	_ =	shalt  }
0x47: {  	_ =	shalt  }
0x48: {  	_ =	shalt  }
0x49: {  	_ =	shalt  }
0x4a: {  	_ =	shalt  }
0x4b: {  	_ =	shalt  }
0x4c: {  	_ =	shalt  }
0x4d: {  	_ =	shalt  }
0x4e: {  	_ =	shalt  }
0x4f: {  	_ =	shalt  }
0x50: {  	_ =	shalt  }
0x51: {  	_ =	shalt  }
0x52: {  	_ =	shalt  }
0x53: {  	_ =	shalt  }
0x54: {  	_ =	shalt  }
0x55: {  	_ =	shalt  }
0x56: {  	_ =	shalt  }
0x57: {  	_ =	shalt  }
0x58: {  	_ =	shalt  }
0x59: {  	_ =	shalt  }
0x5a: {  	_ =	shalt  }
0x5b: {  	_ =	shalt  }
0x5c: {  	_ =	shalt  }
0x5d: {  	_ =	shalt  }
0x5e: {  	_ =	shalt  }
0x5f: {  	_ =	shalt  }
0x60: {  	_ =	shalt  }
0x61: {  	_ =	shalt  }
0x62: {  	_ =	shalt  }
0x63: {  	_ =	shalt  }
0x64: {  	_ =	shalt  }
0x65: {  	_ =	shalt  }
0x66: {  	_ =	shalt  }
0x67: {  	_ =	shalt  }
0x68: {  	_ =	shalt  }
0x69: {  	_ =	shalt  }
0x6a: {  	_ =	shalt  }
0x6b: {  	_ =	shalt  }
0x6c: {  	_ =	shalt  }
0x6d: {  	_ =	shalt  }
0x6e: {  	_ =	shalt  }
0x6f: {  	_ =	shalt  }
0x70: {  	_ =	shalt  }
0x71: {  	_ =	shalt  }
0x72: {  	_ =	shalt  }
0x73: {  	_ =	shalt  }
0x74: {  	_ =	shalt  }
0x75: {  	_ =	shalt  }
0x76: {  	_ =	shalt  }
0x77: {  	_ =	shalt  }
0x78: {  	_ =	shalt  }
0x79: {  	_ =	shalt  }
0x7a: {  	_ =	shalt  }
0x7b: {  	_ =	shalt  }
0x7c: {  	_ =	shalt  }
0x7d: {  	_ =	shalt  }
0x7e: {  	_ =	shalt  }
0x7f: {  	_ =	shalt  }
0x80: {  	_ =	shalt  }
0x81: {  	_ =	shalt  }
0x82: {  	_ =	shalt  }
0x83: {  	_ =	shalt  }
0x84: {  	_ =	shalt  }
0x85: {  	_ =	shalt  }
0x86: {  	_ =	shalt  }
0x87: {  	_ =	shalt  }
.Lfunc_end0:
.L_simem_size_0:
called_computation.2_lowered:
.L_overlay_start_0:
0x88: {  	s2 =	sld [smem:$0x3FD9]  }
0x89: {  	s3 =	sld [smem:$0x3FFE];
	_ =	sdelay $0x1  }
0x8a: {  	s1 =	srdreg.scid  }
0x8b: {  	s0 =	sand.u32 $0x1, s1  }
0x8c: {  	s17 =	sshll.u32 s0, $0xA;
	s2 =	sadd.s32 s3, s2  }
0x8d: {  	s2 =	sadd.s32 s2, s17  }
0x8e: {  	[smem:$0x3FC2] =	sst s2  }
0x8f: {  	_ = 	snop  }
0x90: {  	s2 =	sld [smem:$0x3FD0];
	(tm) =	ssettm $0x1  }
0x91: {  	s18 =	sld [smem:$0x3FFB];
	_ =	sdelay $0x3  }
0x92: {  	_ =	strace s18  }
0x93: {  	s3 =	sld [smem:$0x3FFC];
	_ =	sdelay $0x3  }
0x94: {  	_ =	strace s3  }
0x95: {  	s3 =	sld [smem:$0x3FFD];
	_ =	sdelay $0x3  }
0x96: {  	_ =	strace s3  }
0x97: {  	_ =	strace $0x8FFFFFFF  }
0x98: {  	s19 =	sld [smem:$0x3FDB];
	_ =	sdelay $0x1  }
0x99: {  	s4 =	simm.s32 $_scs_section_size  }
0x9a: {  	s5 =	simm.s32 $_size__tile_overlayer_lowered;
	s6 =	simm.s32 $_tile_overlayer_lowered  }
0x9b: {  	s22 =	simm.s32 $0x1BFF;
	s21 =	sshll.u32 s6, $0x1;
	s3 =	sadd.s32 s4, s19  }
0x9c: {  	s7 =	simm.s32 $0x0;
	s20 =	sshll.u32 s5, $0x1;
	s5 =	sadd.s32 s21, s3  }
0x9d: {  	[timem:s7], [sflag:s22] =	dma.local [hbm:s5], s20  }
0x9e: {  	_ =	swait.ge [sflag:s22], s20  }
0x9f: {  	s4 =	ssub.s32 $0x0, s20;
	[sflag:s22] =	ssyncset.done $0x0  }
0xa0: {  	[sflag:s22] =	ssyncadd.s32 s4;
	_ =	sdelay $0x1  }
0xa1: {  	s23 =	simm.s32 $0x1B8B  }
0xa2: {  	_ =	swait.ge [sflag:s23], $0x1  }
0xa3: {  	[sflag:s23] =	ssyncset.done $0x0  }
0xa4: {  	s25 =	simm.s32 $0x1B8E;
	s24 =	sld [smem:$0x3FFE];
	[sflag:s23] =	ssyncadd.s32 $0xFFFFFFFF  }
0xa5: {  	s26 =	simm.s32 $execute0_lowered;
	[smem:$0x3FD2] =	sst s25  }
0xa6: {  	s5 =	sshll.u32 s26, $0x1;
	_ =	strace $0x8000004C;
	[dreg:$0x1] =	wrdreg $0xFFFFFFFF  }
0xa7: {  	s28 =	simm.s32 $_size_execute0_lowered;
	s3 =	sadd.s32 s3, s5;
	[dreg:$0x0] =	wrdreg $0x0  }
0xa8: {  	s5 =	sshll.u32 s28, $0x1;
	[dreg:$0x2] =	wrdreg s3  }
0xa9: {  	[dreg:$0x3] =	wrdreg s5  }
0xaa: {  	[dreg:$0x4] =	wrdreg $0xC0  }
0xab: {  	_ =	task [dreg:s7], $0x5FFFF  }
0xac: {  	[dreg:$0x1] =	wrdreg $0xFFFFFFFF  }
0xad: {  	[dreg:$0x0] =	wrdreg $0x60  }
0xae: {  	[dreg:$0x2] =	wrdreg s2  }
0xaf: {  	[dreg:$0x3] =	wrdreg s24  }
0xb0: {  	[dreg:$0x4] =	wrdreg $0xC6200  }
0xb1: {  	[dreg:$0x5] =	wrdreg $0x9  }
0xb2: {  	_ =	task.clear_ibuf [dreg:s7], $0x6FFFF;
	_ =	strace $0x9000004C  }
0xb3: {  	s29 =	simm.s32 $0x9;
	_ =	strace $0x8000004E  }
0xb4: {  	_ =	swait.ge [sflag:s29], $0x1  }
0xb5: {  	[sflag:s29] =	ssyncadd.s32 $0xFFFFFFFF  }
0xb6: {  	_ =	strace $0x9000004E  }
0xb7: {  	_ =	sfence  }
0xb8: {  	s30 =	sld [smem:$0x0];
	_ =	sdelay $0x2  }
0xb9: {  	s31 =	sshll.u32 s1, $0xD;
	s1 =	sshrl.u32 s1, $0x2  }
0xba: {  	s3 =	sand.u32 $0x4000, s31;
	s1 =	sadd.s32 s1, s30  }
0xbb: {  	s0 =	sor.u32 s3, s0;
	s1 =	sshll.u32 s1, $0x11  }
0xbc: {  	s0 =	sor.u32 s1, s0  }
0xbd: {  	s0 =	sadd.s32 $0x8F2B, s0  }
0xbe: {  	[sflag:s0] =	ssyncadd.remote.s32 $0x1  }
0xbf: {  	_ =	sfence.sel $0xFFFF  }
0xc0: {  	[dreg:$0x0] =	wrdreg $0xFFFFFFFF;
	(pc) =	sbr.abs _section_cstart, $3  }
0xc1: {  	[dreg:$0x1] =	wrdreg $0xFFFFFFFF  }
0xc2: {  	_ =	task.clear_ibuf [dreg:s7], $0x2FFFF;
	_ =	strace $0x9FFFFFFF  }
0xc3: {  	(tm) =	ssettm $0x7FFFFFFF  }
tec
execute0_lowered:
.L_overlay_start_1:
0x0: {  	(tag) =	ssettag $0x1  }
0x1: {  	s1 =	rddreg [dreg:$0x0]  }
0x2: {  	s0 =	srdreg.scid;
	s5 =	rddreg [dreg:$0x1]  }
0x3: {  	s8 =	stileid.u32;
	s3 =	rddreg [dreg:$0x2]  }
0x4: {  	s4 =	simm.s32 $0x0;
	s17 =	simm.s32 $0x4E20;
	s18 =	simm.s32 $0x2710  }
0x5: {  	s19 =	simm.s32 $0x4;
	s20 =	simm.s32 $0x5;
	s21 =	simm.s32 $0x1  }
0x6: {  	s22 =	simm.s32 $0x2;
	s23 =	simm.s32 $0x50;
	s24 =	simm.s32 $0x7620  }
0x7: {  	s30 =	simm.s32 $0x3;
	s28 =	simm.s32 $0x4DD0;
	s29 =	simm.s32 $0x7  }
0x8: {  	s0 =	sand.u32 $0x1, s0;
	s6 =	smul.u32 $0x13880, s8;
	[smem:$0x7FF] =	sst s4  }
0x9: {  	s2 =	sshll.u32 s0, $0x4;
	s7 =	smul.u32 $0x138800, s0;
	_ =	strace $0x8000004D  }
0xa: {  	s0 =	ssub.s32 $0x2, s0;
	s2 =	sor.u32 s8, s2;
	s8 =	smul.u32 $0x4E200, s8  }
0xb: {  	s26 =	sshrl.u32 s0, $0x1;
	s2 =	smul.u32 $0x2710, s2;
	s7 =	sadd.s32 s6, s7  }
0xc: {  	s0 =	ssub.s32 s0, s26;
	s26 =	simm.s32 $0x9E20;
	s7 =	sshrl.u32 s7, $0x3  }
0xd: {  	s31 =	sshrl.u32 s8, $0x2;
	s16 =	smax.u32 s0, $0x1;
	s2 =	sshrl.u32 s2, $0x3  }
0xe: {  	s15 =	sadd.s32 s7, s5;
	s12 =	sadd.s32 s31, s3;
	s2 =	sadd.s32 s2, s5  }
0xf: {  	s5 =	sadd.s32 s6, s3;
	s6 =	sadd.s32 $0x2800, s12;
	s7 =	sadd.s32 $0x5000, s12  }
0x10: {  	s8 =	sadd.s32 $0x7800, s12;
	s9 =	sadd.s32 $0xA000, s12;
	s10 =	sadd.s32 $0xC800, s12  }
0x11: {  	s11 =	sadd.s32 $0xF000, s12;
	s12 =	sadd.s32 $0x11800, s12;
	s15 =	sadd.s32 $0x15E00, s15  }
0x12: {  	v0 =	vimm.f32 $0.0e+00;
	s13 =	sadd.s32 $0x2400, s2;
	s14 =	sadd.s32 $0xC040, s2;
	s2 =	simm.s32 $0x6  }
.LBB2_1:
0x13: {  	s31 =	simm.s32 $0x0;
	s0 =	simm.s32 $0x200  }
.LBB2_2:
0x14: {  	p0 =	sne.s32 s0, $0x9E00;
	[tilespmem:s31+$0x4E90] =	vst v0  }
0x15: {  	[tilespmem:s31+$0x4E20] =	vst v0  }
0x16: {  	[tilespmem:s31+$0x4E30] =	vst v0  }
.Ltmp0:
0x17: {  	[tilespmem:s31+$0x4E40] =	vst v0;
	(pc) =	sbr.rel @p0 .LBB2_2-.Ltmp0, $4  }
0x18: {  	[tilespmem:s31+$0x4E50] =	vst v0  }
0x19: {  	[tilespmem:s31+$0x4E60] =	vst v0  }
0x1a: {  	[tilespmem:s31+$0x4E70] =	vst v0  }
0x1b: {  	[tilespmem:s31+$0x4E80] =	vst v0;
	s31 =	sshra.s32 s0, $0x2;
	s0 =	sadd.s32 $0x200, s0  }
0x1c: {  	[tilespmem:s31+$0x4E90] =	vst v0  }
0x1d: {  	[tilespmem:s31+$0x4E20] =	vst v0  }
0x1e: {  	[tilespmem:s31+$0x4E30] =	vst v0  }
0x1f: {  	[tilespmem:s31+$0x4E40] =	vst v0  }
0x20: {  	[tilespmem:s31+$0x4E50] =	vst v0  }
0x21: {  	[tilespmem:s31+$0x4E60] =	vst v0  }
0x22: {  	[tilespmem:s31+$0x4E70] =	vst v0  }
0x23: {  	[tilespmem:s31+$0x4E80] =	vst v0  }
0x24: {  	[spmem:s5] =	stream.linear.scatter [tilespmem:s17], [sflag:$0x4], $0x2800, $0x38;
	[tilespmem:$0x1FEA0] =	vst v63  }
0x25: {  	_ = 	snop  }
0x26: {  	[spmem:s6] =	stream.linear.scatter [tilespmem:s17], [sflag:$0x4], $0x2800, $0x38;
	[tilespmem:$0x1FEA0] =	vst v63  }
0x27: {  	_ = 	snop  }
0x28: {  	[spmem:s7] =	stream.linear.scatter [tilespmem:s17], [sflag:$0x4], $0x2800, $0x38;
	[tilespmem:$0x1FEA0] =	vst v63  }
0x29: {  	_ = 	snop  }
0x2a: {  	[spmem:s8] =	stream.linear.scatter [tilespmem:s17], [sflag:$0x4], $0x2800, $0x38;
	[tilespmem:$0x1FEA0] =	vst v63  }
0x2b: {  	_ = 	snop  }
0x2c: {  	[spmem:s9] =	stream.linear.scatter [tilespmem:s17], [sflag:$0x4], $0x2800, $0x38;
	[tilespmem:$0x1FEA0] =	vst v63  }
0x2d: {  	_ = 	snop  }
0x2e: {  	[spmem:s10] =	stream.linear.scatter [tilespmem:s17], [sflag:$0x4], $0x2800, $0x38;
	[tilespmem:$0x1FEA0] =	vst v63  }
0x2f: {  	_ = 	snop  }
0x30: {  	[spmem:s11] =	stream.linear.scatter [tilespmem:s17], [sflag:$0x4], $0x2800, $0x38;
	[tilespmem:$0x1FEA0] =	vst v63  }
0x31: {  	_ = 	snop  }
0x32: {  	[spmem:s12] =	stream.linear.scatter [tilespmem:s17], [sflag:$0x5], $0x2080, $0x38;
	[tilespmem:$0x1FEA0] =	vst v63  }
0x33: {  	s0 =	simm.s32 $0x0  }
0x34: {  	[tilespmem:s0], [sflag:$0x1] =	stream.linear.gather [hbm4b:s13+s0], $0x2710, $0x38;
	[tilespmem:$0x1FEA0] =	vst v63  }
0x35: {  	_ = 	snop  }
0x36: {  	[tilespmem:s18], [sflag:$0x2] =	stream.linear.gather [hbm4b:s14+s0], $0x2710, $0x38;
	[tilespmem:$0x1FEA0] =	vst v63  }
0x37: {  	_ =	swait.ge [sflag:s19], $0x2800  }
0x38: {  	[sflag:s19] =	ssyncset.done $0x0  }
0x39: {  	[sflag:s19] =	ssyncadd.s32 $0xFFFFD800  }
0x3a: {  	_ =	swait.ge [sflag:s19], $0x2800  }
0x3b: {  	[sflag:s19] =	ssyncset.done $0x0  }
0x3c: {  	[sflag:s19] =	ssyncadd.s32 $0xFFFFD800  }
0x3d: {  	_ =	swait.ge [sflag:s19], $0x2800  }
0x3e: {  	[sflag:s19] =	ssyncset.done $0x0  }
0x3f: {  	[sflag:s19] =	ssyncadd.s32 $0xFFFFD800  }
0x40: {  	_ =	swait.ge [sflag:s19], $0x2800  }
0x41: {  	[sflag:s19] =	ssyncset.done $0x0  }
0x42: {  	[sflag:s19] =	ssyncadd.s32 $0xFFFFD800  }
0x43: {  	_ =	swait.ge [sflag:s19], $0x2800  }
0x44: {  	[sflag:s19] =	ssyncset.done $0x0  }
0x45: {  	[sflag:s19] =	ssyncadd.s32 $0xFFFFD800  }
0x46: {  	_ =	swait.ge [sflag:s19], $0x2800  }
0x47: {  	[sflag:s19] =	ssyncset.done $0x0  }
0x48: {  	[sflag:s19] =	ssyncadd.s32 $0xFFFFD800  }
0x49: {  	_ =	swait.ge [sflag:s19], $0x2800  }
0x4a: {  	[sflag:s19] =	ssyncset.done $0x0  }
0x4b: {  	[sflag:s19] =	ssyncadd.s32 $0xFFFFD800  }
0x4c: {  	_ =	swait.ge [sflag:s20], $0x2080  }
0x4d: {  	[sflag:s20] =	ssyncset.done $0x0  }
0x4e: {  	[sflag:s20] =	ssyncadd.s32 $0xFFFFDF80  }
0x4f: {  	_ =	swait.ge [sflag:s21], $0x2710  }
0x50: {  	[sflag:s21] =	ssyncset.done $0x0  }
0x51: {  	[sflag:s21] =	ssyncadd.s32 $0xFFFFD8F0  }
0x52: {  	_ =	swait.ge [sflag:s22], $0x2710  }
0x53: {  	[sflag:s22] =	ssyncset.done $0x0  }
0x54: {  	[sflag:s22] =	ssyncadd.s32 $0xFFFFD8F0  }
0x55: {  	[bflag:$0x0] =	sbarrier.arrive $0xFFFF  }
0x56: {  	[tilespmem:s17], [sflag:$0x1] =	stream.indirect.gather [hbm4b:s1+s23], $0x80, s0, s23, $0xb8;
	[tilespmem:$0x1FEA0] =	vst v63  }
0x57: {  	_ = 	snop  }
0x58: {  	[tilespmem:s24], [sflag:$0x2] =	stream.indirect.gather [hbm4b:s1+s23], $0x80, s23, s23, $0xb8;
	[tilespmem:$0x1FEA0] =	vst v63  }
0x59: {  	_ =	swait.ge [sflag:s21], $0x2800  }
0x5a: {  	[sflag:s21] =	ssyncset.done $0x0  }
0x5b: {  	[sflag:s21] =	ssyncadd.s32 $0xFFFFD800  }
0x5c: {  	[spmem:s3] =	stream.indirect.scatter.add.f32 [tilespmem:s17], [sflag:$0x4], $0x80, s18, s23, $0xb8;
	[tilespmem:$0x1FEA0] =	vst v63  }
0x5d: {  	s25 =	simm.s32 $0xA0  }
0x5e: {  	[tilespmem:s26], [sflag:$0x3] =	stream.indirect.gather [hbm4b:s1+s23], $0x80, s25, s23, $0xb8;
	[tilespmem:$0x1FEA0] =	vst v63  }
0x5f: {  	_ =	swait.ge [sflag:s22], $0x2800  }
0x60: {  	[sflag:s22] =	ssyncset.done $0x0  }
0x61: {  	s25 =	simm.s32 $0x2760;
	[sflag:s22] =	ssyncadd.s32 $0xFFFFD800  }
0x62: {  	[spmem:s3] =	stream.indirect.scatter.add.f32 [tilespmem:s24], [sflag:$0x5], $0x80, s25, s23, $0xb8;
	[tilespmem:$0x1FEA0] =	vst v63  }
0x63: {  	_ =	swait.ge [sflag:s19], $0x2800  }
0x64: {  	[sflag:s19] =	ssyncset.done $0x0  }
0x65: {  	s25 =	simm.s32 $0xF0;
	[sflag:s19] =	ssyncadd.s32 $0xFFFFD800  }
0x66: {  	[tilespmem:s17], [sflag:$0x1] =	stream.indirect.gather [hbm4b:s1+s23], $0x80, s25, s23, $0xb8;
	[tilespmem:$0x1FEA0] =	vst v63  }
0x67: {  	_ =	swait.ge [sflag:s30], $0x2800  }
0x68: {  	[sflag:s30] =	ssyncset.done $0x0  }
0x69: {  	s25 =	simm.s32 $0x27B0;
	[sflag:s30] =	ssyncadd.s32 $0xFFFFD800  }
0x6a: {  	[spmem:s3] =	stream.indirect.scatter.add.f32 [tilespmem:s26], [sflag:$0x6], $0x80, s25, s23, $0xb8;
	[tilespmem:$0x1FEA0] =	vst v63  }
0x6b: {  	_ =	swait.ge [sflag:s20], $0x2800  }
0x6c: {  	[sflag:s20] =	ssyncset.done $0x0  }
0x6d: {  	s25 =	simm.s32 $0x140;
	[sflag:s20] =	ssyncadd.s32 $0xFFFFD800  }
0x6e: {  	[tilespmem:s24], [sflag:$0x2] =	stream.indirect.gather [hbm4b:s1+s23], $0x80, s25, s23, $0xb8;
	[tilespmem:$0x1FEA0] =	vst v63  }
0x6f: {  	_ =	swait.ge [sflag:s21], $0x2800  }
0x70: {  	[sflag:s21] =	ssyncset.done $0x0  }
0x71: {  	s25 =	simm.s32 $0x2800;
	[sflag:s21] =	ssyncadd.s32 $0xFFFFD800  }
0x72: {  	[spmem:s3] =	stream.indirect.scatter.add.f32 [tilespmem:s17], [sflag:$0x4], $0x80, s25, s23, $0xb8;
	[tilespmem:$0x1FEA0] =	vst v63  }
0x73: {  	_ =	swait.ge [sflag:s2], $0x2800  }
0x74: {  	[sflag:s2] =	ssyncset.done $0x0  }
0x75: {  	s25 =	simm.s32 $0x190;
	[sflag:s2] =	ssyncadd.s32 $0xFFFFD800  }
0x76: {  	[tilespmem:s26], [sflag:$0x3] =	stream.indirect.gather [hbm4b:s1+s23], $0x80, s25, s23, $0xb8;
	[tilespmem:$0x1FEA0] =	vst v63  }
0x77: {  	_ =	swait.ge [sflag:s22], $0x2800  }
0x78: {  	[sflag:s22] =	ssyncset.done $0x0  }
0x79: {  	s25 =	simm.s32 $0x2850;
	[sflag:s22] =	ssyncadd.s32 $0xFFFFD800  }
0x7a: {  	[spmem:s3] =	stream.indirect.scatter.add.f32 [tilespmem:s24], [sflag:$0x5], $0x80, s25, s23, $0xb8;
	[tilespmem:$0x1FEA0] =	vst v63  }
0x7b: {  	_ =	swait.ge [sflag:s19], $0x2800  }
0x7c: {  	[sflag:s19] =	ssyncset.done $0x0  }
0x7d: {  	s25 =	simm.s32 $0x1E0;
	[sflag:s19] =	ssyncadd.s32 $0xFFFFD800  }
0x7e: {  	[tilespmem:s17], [sflag:$0x1] =	stream.indirect.gather [hbm4b:s1+s23], $0x80, s25, s23, $0xb8;
	[tilespmem:$0x1FEA0] =	vst v63  }
0x7f: {  	_ =	swait.ge [sflag:s30], $0x2800  }
0x80: {  	[sflag:s30] =	ssyncset.done $0x0  }
0x81: {  	s31 =	simm.s32 $0x3C0;
	s0 =	simm.s32 $0x28A0;
	[sflag:s30] =	ssyncadd.s32 $0xFFFFD800  }
.LBB2_4:
0x82: {  	[spmem:s3] =	stream.indirect.scatter.add.f32 [tilespmem:s26], [sflag:$0x6], $0x80, s0, s23, $0xb8;
	[tilespmem:$0x1FEA0] =	vst v63  }
0x83: {  	s0 =	smov.u32 s31  }
0x84: {  	p0 =	sne.s32 s31, $0x9240;
	s31 =	sadd.s32 $0x3C0, s31;
	_ =	swait.ge [sflag:s20], $0x2800  }
0x85: {  	s0 =	sshra.s32 s0, $0x2;
	[sflag:s20] =	ssyncset.done $0x0  }
0x86: {  	s25 =	sadd.s32 $0x140, s0;
	[sflag:s20] =	ssyncadd.s32 $0xFFFFD800  }
0x87: {  	[tilespmem:s24], [sflag:$0x2] =	stream.indirect.gather [hbm4b:s1+s23], $0x80, s25, s23, $0xb8;
	[tilespmem:$0x1FEA0] =	vst v63  }
0x88: {  	_ =	swait.ge [sflag:s21], $0x2800  }
0x89: {  	[sflag:s21] =	ssyncset.done $0x0  }
0x8a: {  	s25 =	sadd.s32 $0x2800, s0;
	[sflag:s21] =	ssyncadd.s32 $0xFFFFD800  }
0x8b: {  	[spmem:s3] =	stream.indirect.scatter.add.f32 [tilespmem:s17], [sflag:$0x4], $0x80, s25, s23, $0xb8;
	[tilespmem:$0x1FEA0] =	vst v63  }
0x8c: {  	_ =	swait.ge [sflag:s2], $0x2800  }
0x8d: {  	[sflag:s2] =	ssyncset.done $0x0  }
0x8e: {  	s25 =	sadd.s32 $0x190, s0;
	[sflag:s2] =	ssyncadd.s32 $0xFFFFD800  }
0x8f: {  	[tilespmem:s26], [sflag:$0x3] =	stream.indirect.gather [hbm4b:s1+s23], $0x80, s25, s23, $0xb8;
	[tilespmem:$0x1FEA0] =	vst v63  }
0x90: {  	_ =	swait.ge [sflag:s22], $0x2800  }
0x91: {  	[sflag:s22] =	ssyncset.done $0x0  }
0x92: {  	s25 =	sadd.s32 $0x2850, s0;
	[sflag:s22] =	ssyncadd.s32 $0xFFFFD800  }
0x93: {  	[spmem:s3] =	stream.indirect.scatter.add.f32 [tilespmem:s24], [sflag:$0x5], $0x80, s25, s23, $0xb8;
	[tilespmem:$0x1FEA0] =	vst v63  }
0x94: {  	_ =	swait.ge [sflag:s19], $0x2800  }
0x95: {  	[sflag:s19] =	ssyncset.done $0x0  }
.Ltmp1:
0x96: {  	s25 =	sadd.s32 $0x1E0, s0;
	[sflag:s19] =	ssyncadd.s32 $0xFFFFD800;
	(pc) =	sbr.rel @p0 .LBB2_4-.Ltmp1, $4  }
0x97: {  	[tilespmem:s17], [sflag:$0x1] =	stream.indirect.gather [hbm4b:s1+s23], $0x80, s25, s23, $0xb8;
	[tilespmem:$0x1FEA0] =	vst v63  }
0x98: {  	_ =	swait.ge [sflag:s30], $0x2800  }
0x99: {  	[sflag:s30] =	ssyncset.done $0x0  }
0x9a: {  	s0 =	sadd.s32 $0x28A0, s0;
	[sflag:s30] =	ssyncadd.s32 $0xFFFFD800  }
0x9b: {  	[spmem:s3] =	stream.indirect.scatter.add.f32 [tilespmem:s26], [sflag:$0x6], $0x80, s0, s23, $0xb8;
	[tilespmem:$0x1FEA0] =	vst v63  }
0x9c: {  	_ =	swait.ge [sflag:s20], $0x2800  }
0x9d: {  	[sflag:s20] =	ssyncset.done $0x0  }
0x9e: {  	s31 =	simm.s32 $0x26C0;
	[sflag:s20] =	ssyncadd.s32 $0xFFFFD800  }
0x9f: {  	[tilespmem:s24], [sflag:$0x2] =	stream.indirect.gather [hbm4b:s1+s23], $0x80, s31, s23, $0xb8;
	[tilespmem:$0x1FEA0] =	vst v63  }
0xa0: {  	_ =	swait.ge [sflag:s21], $0x2800  }
0xa1: {  	[sflag:s21] =	ssyncset.done $0x0  }
0xa2: {  	s25 =	simm.s32 $0x4D80;
	[sflag:s21] =	ssyncadd.s32 $0xFFFFD800  }
0xa3: {  	[spmem:s3] =	stream.indirect.scatter.add.f32 [tilespmem:s17], [sflag:$0x4], $0x80, s25, s23, $0xb8;
	[tilespmem:$0x1FEA0] =	vst v63  }
0xa4: {  	_ =	swait.ge [sflag:s22], $0x2800  }
0xa5: {  	[sflag:s22] =	ssyncset.done $0x0  }
0xa6: {  	[sflag:s22] =	ssyncadd.s32 $0xFFFFD800  }
0xa7: {  	[spmem:s3] =	stream.indirect.scatter.add.f32 [tilespmem:s24], [sflag:$0x5], $0x80, s28, s23, $0xb8;
	[tilespmem:$0x1FEA0] =	vst v63  }
0xa8: {  	_ =	swait.ge [sflag:s2], $0x2800  }
0xa9: {  	[sflag:s2] =	ssyncset.done $0x0  }
0xaa: {  	[sflag:s2] =	ssyncadd.s32 $0xFFFFD800  }
0xab: {  	_ =	swait.ge [sflag:s19], $0x2800  }
0xac: {  	[sflag:s19] =	ssyncset.done $0x0  }
0xad: {  	[sflag:s19] =	ssyncadd.s32 $0xFFFFD800  }
0xae: {  	s31 =	stileid.u32;
	_ =	swait.ge [sflag:s20], $0x2800  }
0xaf: {  	s4 =	sadd.s32 $0x1, s4;
	s0 =	sshll.u32 s31, $0x6;
	[sflag:s20] =	ssyncset.done $0x0  }
0xb0: {  	p0 =	sne.s32 s4, s16;
	s0 =	sor.u32 $0x1C07, s0;
	[sflag:s20] =	ssyncadd.s32 $0xFFFFD800  }
.Ltmp2:
0xb1: {  	s25 =	sshrl.u32 s5, $0x3;
	[bflag:$0x0] =	sbarrier.arrive $0xFFFF;
	(pc) =	sbr.rel @p0 .LBB2_1-.Ltmp2, $4  }
0xb2: {  	[hbm:s15], [sflag:s0] =	dma.local [spmem:s25], $0x2710  }
0xb3: {  	_ =	swait.ge [sflag:s29], $0x2710  }
0xb4: {  	[sflag:s29] =	ssyncset.done $0x0  }
0xb5: {  	[sflag:s29] =	ssyncadd.s32 $0xFFFFD8F0  }
0xb6: {  	_ =	sfence.sel $0x180000  }
0xb7: {  	[bflag:$0x0] =	sbarrier.arrive $0xFFFF  }
0xb8: {  	_ =	strace $0x9000004D  }
0xb9: {  	s0 =	stileid.u32;
	[bflag:$0x2] =	sbarrier.arrive $0xFFFF  }
0xba: {  	p0 =	sne.s32 s0, $0x0;
	s0 =	rddreg [dreg:$0x3]  }
0xbb: {  	s0 =	sadd.s32 @!p0 $0x100000, s0  }
0xbc: {  	[sflag:s0] =	ssyncadd.tile.s32 @!p0 $0x1;
	_ =	shalt  }
.Lfunc_end2:
_tile_overlayer_lowered:
.L_overlay_start_2:
0xbd: {  	(tag) =	ssettag $0x2  }
0xbe: {  	s0 =	rddreg [dreg:$0x0];
	s2 =	stileid.u32  }
0xbf: {  	s1 =	rddreg [dreg:$0x1];
	p0 =	sne.s32 s2, $0x0  }
0xc0: {  	s3 =	rddreg [dreg:$0x2];
	[bflag:$0x3] =	sbarrier.arrive $0xFFFF;
	s2 =	simm.s32 @!p0 $0x1C07  }
0xc1: {  	[timem:s3], [sflag:s2] =	dma.local @!p0 [hbm:s0], s1  }
0xc2: {  	s0 =	simm.s32 @!p0 $0x7  }
0xc3: {  	_ =	swait.ge @!p0 [sflag:s0], s1  }
0xc4: {  	s1 =	ssub.s32 @!p0 $0x0, s1;
	[sflag:s0] =	ssyncset.done @!p0 $0x0  }
0xc5: {  	[sflag:s0] =	ssyncadd.s32 @!p0 s1  }
0xc6: {  	[bflag:$0x3] =	sbarrier.arrive $0xFFFF  }
0xc7: {  	_ =	shalt  }

// kernel: kernel.9.cloned.1.call-start
scs
__scs_entry_jumppad:
0x0: {  	(pc) =	sbr.rel $0x88, $3  }
0x1: {  	(tag) =	ssettag $0x0;
	lr =	simm.s32 $0x1  }
0x2: {  	[smem:$0x3F9B] =	sst lr;
	_ =	strace $0xD0000000  }
0x3: {  	_ = 	snop  }
0x4: {  	_ = 	snop  }
0x5: {  	_ = 	snop  }
0x6: {  	_ = 	snop  }
0x7: {  	_ = 	snop  }
__scs_overlays_trampoline_lowered:
0x8: {  	[smem:$0x3FAA] =	sst s0  }
0x9: {  	[smem:$0x3FAB] =	sst s1  }
0xa: {  	[smem:$0x3FAC] =	sst s2  }
0xb: {  	[smem:$0x3FAD] =	sst s3  }
0xc: {  	[smem:$0x3FAE] =	sst s4  }
0xd: {  	[smem:$0x3FAF] =	sst s5  }
0xe: {  	[smem:$0x3FB0] =	sst s6  }
0xf: {  	[smem:$0x3FB1] =	sst s7  }
0x10: {  	[smem:$0x3FB2] =	sst s8  }
0x11: {  	[smem:$0x3FB3] =	sst s9;
	s0 =	simm.s32 @!p0 $0x0  }
0x12: {  	s1 =	sld [smem:$0x3F99];
	s0 =	simm.s32 @p0 $0x1  }
0x13: {  	[smem:$0x3FB4] =	sst s0;
	s0 =	simm.s32 @!p1 $0x0  }
0x14: {  	s2 =	sld [smem:$0x3F98];
	s0 =	simm.s32 @p1 $0x1  }
0x15: {  	[smem:$0x3FB5] =	sst s0;
	s0 =	simm.s32 @!p2 $0x0  }
0x16: {  	s3 =	sld [smem:$0x3FDB];
	s0 =	simm.s32 @p2 $0x1  }
0x17: {  	s4 =	simm.s32 $0x1BF5;
	[smem:$0x3FB7] =	sst s0  }
0x18: {  	s0 =	sld [smem:$0x3F9A];
	_ =	swait.ge [sflag:s4], $0x0  }
0x19: {  	s7 =	sld [smem:$0x3F9B]  }
0x1a: {  	s8 =	sadd.s32 $0xFFFFE003, lr  }
0x1b: {  	s9 =	sadd.s32 $0xFFFFFEF7, lr;
	s5 =	simm.s32 $0xFFFFFFFF;
	p2 =	slt.u32 s8, $0xFFFFF086  }
0x1c: {  	p1 =	slt.u32 s9, $0xF7A;
	s5 =	simm.s32 @!p2 $0x0  }
0x1d: {  	s5 =	simm.s32 @p1 $0x1;
	p0 =	seq.s32 s7, s2  }
0x1e: {  	s7 =	smul.u32 @!p0 $0xF7A, s2;
	p2 =	seq.s32 @!p0 s5, $0x0  }
0x1f: {  	s9 =	smul.u32 $0xF7A, s1;
	s8 =	simm.s32 @!p0 $0x1BF5;
	p2 =	por !p2, p0  }
0x20: {  	[sflag:s8] =	ssyncset.s32 @!p0 $0xFFFFF086;
	s6 =	sadd.s32 @!p0 s3, s7;
	s7 =	simm.s32 @!p0 $0x108  }
0x21: {  	s3 =	sadd.s32 s3, s9;
	s6 =	sadd.s32 @!p0 $0x88, s6;
	s7 =	simm.s32 @p2 $0x1082  }
0x22: {  	[simem:s7], [sflag:s8] =	dma.local @!p0 [hbm:s6], $0xF7A  }
0x23: {  	s9 =	sor.u32 $0xD0000000, s2;
	s6 =	simm.s32 $0x108;
	_ =	swait.ge @!p0 [sflag:s8], $0x0  }
0x24: {  	s3 =	sadd.s32 $0x88, s3;
	s6 =	simm.s32 @!p1 $0x1082;
	[sflag:s4] =	ssyncset.s32 $0xFFFFF086  }
0x25: {  	[simem:s6], [sflag:s4] =	dma.local [hbm:s3], $0xF7A  }
0x26: {  	[smem:$0x3F9B] =	sst s1;
	(tag) =	ssettag s2;
	_ =	strace s9  }
0x27: {  	s1 =	sld [smem:$0x3FAB]  }
0x28: {  	s2 =	sld [smem:$0x3FAC]  }
0x29: {  	s4 =	sld [smem:$0x3FAE]  }
0x2a: {  	p0 =	seq.s32 s5, $0x0;
	s5 =	sld [smem:$0x3FAF]  }
0x2b: {  	s6 =	sld [smem:$0x3FB0]  }
0x2c: {  	s7 =	sld [smem:$0x3FB1]  }
0x2d: {  	s3 =	simm.s32 $0x108;
	s8 =	sld [smem:$0x3FB2]  }
0x2e: {  	s3 =	simm.s32 @!p0 $0x1082;
	s9 =	sld [smem:$0x3FB3]  }
0x2f: {  	lr =	sadd.s32 s0, s3;
	s0 =	sld [smem:$0x3FAA]  }
0x30: {  	s3 =	sld [smem:$0x3FAD]  }
0x31: {  	[smem:$0x3FB6] =	sst s10  }
0x32: {  	s10 =	sld [smem:$0x3FB4];
	_ =	sdelay $0x3  }
0x33: {  	p0 =	seq.s32 s10, $0x1;
	s10 =	sld [smem:$0x3FB6];
	_ =	sdelay $0x3  }
0x34: {  	[smem:$0x3FB6] =	sst s10  }
0x35: {  	s10 =	sld [smem:$0x3FB5];
	_ =	sdelay $0x3  }
0x36: {  	p1 =	seq.s32 s10, $0x1;
	s10 =	sld [smem:$0x3FB6];
	_ =	sdelay $0x3  }
0x37: {  	[smem:$0x3FB6] =	sst s10  }
0x38: {  	s10 =	sld [smem:$0x3FB7]  }
0x39: {  	_ = 	snop;
	(pc) =	sbr.ind lr, $3  }
0x3a: {  	_ = 	snop  }
0x3b: {  	_ = 	snop  }
0x3c: {  	p2 =	seq.s32 s10, $0x1;
	s10 =	sld [smem:$0x3FB6]  }
0x3d: {  	_ =	shalt  }
0x3e: {  	_ =	shalt  }
0x3f: {  	_ =	shalt  }
0x40: {  	_ =	shalt  }
0x41: {  	_ =	shalt  }
0x42: {  	_ =	shalt  }
0x43: {  	_ =	shalt  }
0x44: {  	_ =	shalt  }
0x45: {  	_ =	shalt  }
0x46: {  	_ =	shalt  }
0x47: {  	_ =	shalt  }
0x48: {  	_ =	shalt  }
0x49: {  	_ =	shalt  }
0x4a: {  	_ =	shalt  }
0x4b: {  	_ =	shalt  }
0x4c: {  	_ =	shalt  }
0x4d: {  	_ =	shalt  }
0x4e: {  	_ =	shalt  }
0x4f: {  	_ =	shalt  }
0x50: {  	_ =	shalt  }
0x51: {  	_ =	shalt  }
0x52: {  	_ =	shalt  }
0x53: {  	_ =	shalt  }
0x54: {  	_ =	shalt  }
0x55: {  	_ =	shalt  }
0x56: {  	_ =	shalt  }
0x57: {  	_ =	shalt  }
0x58: {  	_ =	shalt  }
0x59: {  	_ =	shalt  }
0x5a: {  	_ =	shalt  }
0x5b: {  	_ =	shalt  }
0x5c: {  	_ =	shalt  }
0x5d: {  	_ =	shalt  }
0x5e: {  	_ =	shalt  }
0x5f: {  	_ =	shalt  }
0x60: {  	_ =	shalt  }
0x61: {  	_ =	shalt  }
0x62: {  	_ =	shalt  }
0x63: {  	_ =	shalt  }
0x64: {  	_ =	shalt  }
0x65: {  	_ =	shalt  }
0x66: {  	_ =	shalt  }
0x67: {  	_ =	shalt  }
0x68: {  	_ =	shalt  }
0x69: {  	_ =	shalt  }
0x6a: {  	_ =	shalt  }
0x6b: {  	_ =	shalt  }
0x6c: {  	_ =	shalt  }
0x6d: {  	_ =	shalt  }
0x6e: {  	_ =	shalt  }
0x6f: {  	_ =	shalt  }
0x70: {  	_ =	shalt  }
0x71: {  	_ =	shalt  }
0x72: {  	_ =	shalt  }
0x73: {  	_ =	shalt  }
0x74: {  	_ =	shalt  }
0x75: {  	_ =	shalt  }
0x76: {  	_ =	shalt  }
0x77: {  	_ =	shalt  }
0x78: {  	_ =	shalt  }
0x79: {  	_ =	shalt  }
0x7a: {  	_ =	shalt  }
0x7b: {  	_ =	shalt  }
0x7c: {  	_ =	shalt  }
0x7d: {  	_ =	shalt  }
0x7e: {  	_ =	shalt  }
0x7f: {  	_ =	shalt  }
0x80: {  	_ =	shalt  }
0x81: {  	_ =	shalt  }
0x82: {  	_ =	shalt  }
0x83: {  	_ =	shalt  }
0x84: {  	_ =	shalt  }
0x85: {  	_ =	shalt  }
0x86: {  	_ =	shalt  }
0x87: {  	_ =	shalt  }
.Lfunc_end0:
.L_simem_size_0:
called_computation_lowered:
.L_overlay_start_0:
0x88: {  	s2 =	sld [smem:$0x3FD9]  }
0x89: {  	s3 =	sld [smem:$0x3FFE];
	_ =	sdelay $0x1  }
0x8a: {  	s1 =	srdreg.scid  }
0x8b: {  	s0 =	sand.u32 $0x1, s1  }
0x8c: {  	s17 =	sshll.u32 s0, $0xA;
	s2 =	sadd.s32 s3, s2  }
0x8d: {  	s2 =	sadd.s32 s2, s17  }
0x8e: {  	[smem:$0x3FC2] =	sst s2  }
0x8f: {  	_ = 	snop  }
0x90: {  	s2 =	sld [smem:$0x3FD0];
	(tm) =	ssettm $0x1  }
0x91: {  	s18 =	sld [smem:$0x3FFB];
	_ =	sdelay $0x3  }
0x92: {  	_ =	strace s18  }
0x93: {  	s3 =	sld [smem:$0x3FFC];
	_ =	sdelay $0x3  }
0x94: {  	_ =	strace s3  }
0x95: {  	s3 =	sld [smem:$0x3FFD];
	_ =	sdelay $0x3  }
0x96: {  	_ =	strace s3  }
0x97: {  	_ =	strace $0x8FFFFFFF  }
0x98: {  	s19 =	sld [smem:$0x3FDB];
	_ =	sdelay $0x1  }
0x99: {  	s4 =	simm.s32 $_scs_section_size  }
0x9a: {  	s5 =	simm.s32 $_size__tile_overlayer_lowered;
	s6 =	simm.s32 $_tile_overlayer_lowered  }
0x9b: {  	s22 =	simm.s32 $0x1BFF;
	s21 =	sshll.u32 s6, $0x1;
	s3 =	sadd.s32 s4, s19  }
0x9c: {  	s7 =	simm.s32 $0x0;
	s20 =	sshll.u32 s5, $0x1;
	s5 =	sadd.s32 s21, s3  }
0x9d: {  	[timem:s7], [sflag:s22] =	dma.local [hbm:s5], s20  }
0x9e: {  	_ =	swait.ge [sflag:s22], s20  }
0x9f: {  	s4 =	ssub.s32 $0x0, s20;
	[sflag:s22] =	ssyncset.done $0x0  }
0xa0: {  	[sflag:s22] =	ssyncadd.s32 s4;
	_ =	sdelay $0x1  }
0xa1: {  	s23 =	simm.s32 $0x1B8B  }
0xa2: {  	_ =	swait.ge [sflag:s23], $0x1  }
0xa3: {  	[sflag:s23] =	ssyncset.done $0x0  }
0xa4: {  	s25 =	simm.s32 $0x1B8E;
	s24 =	sld [smem:$0x3FFE];
	[sflag:s23] =	ssyncadd.s32 $0xFFFFFFFF  }
0xa5: {  	s26 =	simm.s32 $execute0_lowered;
	[smem:$0x3FD2] =	sst s25  }
0xa6: {  	s5 =	sshll.u32 s26, $0x1;
	_ =	strace $0x80000046;
	[dreg:$0x1] =	wrdreg $0xFFFFFFFF  }
0xa7: {  	s28 =	simm.s32 $_size_execute0_lowered;
	s3 =	sadd.s32 s3, s5;
	[dreg:$0x0] =	wrdreg $0x0  }
0xa8: {  	s5 =	sshll.u32 s28, $0x1;
	[dreg:$0x2] =	wrdreg s3  }
0xa9: {  	[dreg:$0x3] =	wrdreg s5  }
0xaa: {  	[dreg:$0x4] =	wrdreg $0xC0  }
0xab: {  	_ =	task [dreg:s7], $0x5FFFF  }
0xac: {  	[dreg:$0x1] =	wrdreg $0xFFFFFFFF  }
0xad: {  	[dreg:$0x0] =	wrdreg $0x60  }
0xae: {  	[dreg:$0x2] =	wrdreg s24  }
0xaf: {  	[dreg:$0x3] =	wrdreg s2  }
0xb0: {  	[dreg:$0x4] =	wrdreg $0x53200  }
0xb1: {  	[dreg:$0x5] =	wrdreg $0x9  }
0xb2: {  	_ =	task.clear_ibuf [dreg:s7], $0x6FFFF;
	_ =	strace $0x90000046  }
0xb3: {  	s29 =	simm.s32 $0x9;
	_ =	strace $0x80000048  }
0xb4: {  	_ =	swait.ge [sflag:s29], $0x1  }
0xb5: {  	[sflag:s29] =	ssyncadd.s32 $0xFFFFFFFF  }
0xb6: {  	_ =	strace $0x90000048  }
0xb7: {  	_ =	sfence  }
0xb8: {  	s30 =	sld [smem:$0x0];
	_ =	sdelay $0x2  }
0xb9: {  	s31 =	sshll.u32 s1, $0xD;
	s1 =	sshrl.u32 s1, $0x2  }
0xba: {  	s3 =	sand.u32 $0x4000, s31;
	s1 =	sadd.s32 s1, s30  }
0xbb: {  	s0 =	sor.u32 s3, s0;
	s1 =	sshll.u32 s1, $0x11  }
0xbc: {  	s0 =	sor.u32 s1, s0  }
0xbd: {  	s0 =	sadd.s32 $0x8F2B, s0  }
0xbe: {  	[sflag:s0] =	ssyncadd.remote.s32 $0x1  }
0xbf: {  	_ =	sfence.sel $0xFFFF  }
0xc0: {  	[dreg:$0x0] =	wrdreg $0xFFFFFFFF;
	(pc) =	sbr.abs _section_cstart, $3  }
0xc1: {  	[dreg:$0x1] =	wrdreg $0xFFFFFFFF  }
0xc2: {  	_ =	task.clear_ibuf [dreg:s7], $0x2FFFF;
	_ =	strace $0x9FFFFFFF  }
0xc3: {  	(tm) =	ssettm $0x7FFFFFFF  }
tec
execute0_lowered:
.L_overlay_start_1:
0x0: {  	(tag) =	ssettag $0x1  }
0x1: {  	s5 =	rddreg [dreg:$0x0]  }
0x2: {  	s0 =	srdreg.scid;
	s6 =	rddreg [dreg:$0x1]  }
0x3: {  	s2 =	rddreg [dreg:$0x2];
	s3 =	simm.s32 $0x0;
	s11 =	simm.s32 $0x50  }
0x4: {  	s12 =	simm.s32 $0x2710;
	s15 =	simm.s32 $0x3;
	s4 =	sand.u32 $0x1, s0  }
0x5: {  	s16 =	simm.s32 $0x0;
	s0 =	stileid.u32;
	s1 =	sshll.u32 s4, $0x4  }
0x6: {  	[smem:$0x7FF] =	sst s3;
	s8 =	smul.u32 $0x2710, s0;
	s1 =	sor.u32 s0, s1  }
0x7: {  	s9 =	ssub.s32 $0x2, s4;
	s13 =	sshll.u32 s0, $0x6;
	s7 =	smul.u32 $0x2710, s1  }
0x8: {  	s4 =	smul.u32 $0x27100, s4;
	s10 =	sshrl.u32 s9, $0x1;
	s13 =	sor.u32 $0x1C03, s13  }
0x9: {  	s1 =	rddreg [dreg:$0x3];
	_ =	strace $0x80000047;
	s7 =	sshrl.u32 s7, $0x3  }
0xa: {  	s9 =	ssub.s32 s9, s10;
	s31 =	sadd.s32 s8, s4;
	s5 =	sadd.s32 s5, s7  }
0xb: {  	s10 =	simm.s32 $0x2;
	s7 =	sshrl.u32 s31, $0x3;
	s4 =	sadd.s32 $0xC040, s5  }
0xc: {  	s5 =	sadd.s32 s8, s2;
	s6 =	sadd.s32 s6, s7;
	s7 =	smax.u32 s9, $0x1  }
0xd: {  	v0 =	vimm.f32 $0.0e+00;
	v1 =	vimm.f32 $1.000000000e+00;
	s8 =	simm.s32 $0x2C10;
	s9 =	simm.s32 $0x1;
	s14 =	sshrl.u32 s5, $0x3  }
.LBB2_1:
0xe: {  	[tilespmem:s3], [sflag:$0x2] =	stream.linear.gather [hbm4b:s4+s3], $0x2710, $0x38;
	[tilespmem:$0x7A30] =	vst v63  }
0xf: {  	s17 =	simm.s32 $0x40;
	s18 =	simm.s32 $0x0  }
.LBB2_2:
0x10: {  	p0 =	sne.s32 s17, $0x9C00;
	[tilespmem:s18+$0x2C10] =	vst v0;
	s18 =	smov.u32 s17;
	s17 =	sadd.s32 $0x40, s17  }
.Ltmp0:
0x11: {  	(pc) =	sbr.rel @p0 .LBB2_2-.Ltmp0, $2  }
0x12: {  	_ =	sdelay $0x2  }
0x13: {  	s18 =	sshra.s32 s18, $0x2  }
0x14: {  	[tilespmem:s18+$0x2C10] =	vst v0;
	s17 =	simm.s32 $0x40;
	s18 =	simm.s32 $0x0  }
0x15: {  	[spmem:s5] =	stream.linear.scatter [tilespmem:s8], [sflag:$0x1], $0x2710, $0x38;
	[tilespmem:$0x7A30] =	vst v63  }
.LBB2_4:
0x16: {  	p0 =	sne.s32 s17, $0x13C0;
	[tilespmem:s18+$0x2710] =	vst v1;
	s18 =	smov.u32 s17;
	s17 =	sadd.s32 $0x40, s17  }
.Ltmp1:
0x17: {  	(pc) =	sbr.rel @p0 .LBB2_4-.Ltmp1, $2  }
0x18: {  	_ =	sdelay $0x2  }
0x19: {  	s18 =	sshra.s32 s18, $0x2  }
0x1a: {  	[tilespmem:s18+$0x2710] =	vst v1  }
0x1b: {  	_ =	swait.ge [sflag:s9], $0x2710  }
0x1c: {  	[sflag:s9] =	ssyncset.done $0x0  }
0x1d: {  	[sflag:s9] =	ssyncadd.s32 $0xFFFFD8F0  }
0x1e: {  	_ =	swait.ge [sflag:s10], $0x2710  }
0x1f: {  	[sflag:s10] =	ssyncset.done $0x0  }
0x20: {  	[sflag:s10] =	ssyncadd.s32 $0xFFFFD8F0  }
0x21: {  	[bflag:$0x0] =	sbarrier.arrive $0xFFFF  }
0x22: {  	[spmem:s2] =	stream.indirect.scatter.add.f32 [tilespmem:s12], [sflag:$0x1], $0x10, s3, s11, $0xb8;
	[tilespmem:$0x7A30] =	vst v63  }
0x23: {  	s17 =	simm.s32 $0x50  }
0x24: {  	[spmem:s2] =	stream.indirect.scatter.add.f32 [tilespmem:s12], [sflag:$0x1], $0x10, s17, s11, $0xb8;
	[tilespmem:$0x7A30] =	vst v63  }
0x25: {  	_ =	swait.ge [sflag:s9], $0x500  }
0x26: {  	s17 =	simm.s32 $0x280;
	[sflag:s9] =	ssyncset.done $0x0  }
.LBB2_6:
0x27: {  	s18 =	sshra.s32 s17, $0x2;
	[sflag:s9] =	ssyncadd.s32 $0xFFFFFB00;
	p0 =	sne.s32 s17, $0x9B00  }
0x28: {  	[spmem:s2] =	stream.indirect.scatter.add.f32 [tilespmem:s12], [sflag:$0x1], $0x10, s18, s11, $0xb8;
	[tilespmem:$0x7A30] =	vst v63  }
.Ltmp2:
0x29: {  	_ = 	snop;
	(pc) =	sbr.rel @p0 .LBB2_6-.Ltmp2, $4  }
0x2a: {  	_ = 	snop  }
0x2b: {  	s17 =	sadd.s32 $0x140, s17  }
0x2c: {  	_ =	swait.ge [sflag:s9], $0x500  }
0x2d: {  	[sflag:s9] =	ssyncset.done $0x0  }
0x2e: {  	[sflag:s9] =	ssyncadd.s32 $0xFFFFFB00  }
0x2f: {  	_ =	swait.ge [sflag:s9], $0x500  }
0x30: {  	s16 =	sadd.s32 $0x1, s16;
	[sflag:s9] =	ssyncset.done $0x0  }
0x31: {  	p0 =	sne.s32 s16, s7;
	[sflag:s9] =	ssyncadd.s32 $0xFFFFFB00  }
.Ltmp3:
0x32: {  	[bflag:$0x0] =	sbarrier.arrive $0xFFFF;
	(pc) =	sbr.rel @p0 .LBB2_1-.Ltmp3, $4  }
0x33: {  	[hbm:s6], [sflag:s13] =	dma.local [spmem:s14], $0x4E2  }
0x34: {  	_ =	swait.ge [sflag:s15], $0x4E2  }
0x35: {  	[sflag:s15] =	ssyncset.done $0x0  }
0x36: {  	[sflag:s15] =	ssyncadd.s32 $0xFFFFFB1E  }
0x37: {  	_ =	sfence.sel $0x180000  }
0x38: {  	[bflag:$0x0] =	sbarrier.arrive $0xFFFF  }
0x39: {  	p0 =	sne.s32 s0, $0x0;
	_ =	strace $0x90000047  }
0x3a: {  	s0 =	sadd.s32 @!p0 $0x100000, s1;
	[bflag:$0x2] =	sbarrier.arrive $0xFFFF  }
0x3b: {  	[sflag:s0] =	ssyncadd.tile.s32 @!p0 $0x1;
	_ =	shalt  }
.Lfunc_end2:
_tile_overlayer_lowered:
.L_overlay_start_2:
0x3c: {  	(tag) =	ssettag $0x2  }
0x3d: {  	s0 =	rddreg [dreg:$0x0];
	s2 =	stileid.u32  }
0x3e: {  	s1 =	rddreg [dreg:$0x1];
	p0 =	sne.s32 s2, $0x0  }
0x3f: {  	s3 =	rddreg [dreg:$0x2];
	[bflag:$0x3] =	sbarrier.arrive $0xFFFF;
	s2 =	simm.s32 @!p0 $0x1C03  }
0x40: {  	[timem:s3], [sflag:s2] =	dma.local @!p0 [hbm:s0], s1  }
0x41: {  	s0 =	simm.s32 @!p0 $0x3  }
0x42: {  	_ =	swait.ge @!p0 [sflag:s0], s1  }
0x43: {  	s1 =	ssub.s32 @!p0 $0x0, s1;
	[sflag:s0] =	ssyncset.done @!p0 $0x0  }
0x44: {  	[sflag:s0] =	ssyncadd.s32 @!p0 s1  }
0x45: {  	[bflag:$0x3] =	sbarrier.arrive $0xFFFF  }
0x46: {  	_ =	shalt  }

</sc_bundles>
